<compile_context>
chip_gen: v7x
topology: tpu7x:2x2x1
jax: 0.10.2.dev20260603
libtpu: 0.0.44.dev20260713+nightly
codegen_flags: <defaults>
</compile_context>

<pallas_src>
import functools
import jax
import jax.numpy as jnp
from jax import lax
from jax.experimental import pallas as pl
from jax.experimental.pallas import tpu as pltpu
from jax.experimental.pallas import tpu_sc as plsc

N_NODES = 10000
D = 128
N_EDGES = 320000

NC = 2
NS = 16
NW = NC * NS

K = 128
STEPS = 80
CSTEPS = 16
E_PER_W = K * STEPS
E_PAD = NW * E_PER_W

N_ACC = 10240
ROWS_PER_TILE = N_ACC // NS


def _sc_body(feat_hbm, src_hbm, dst_hbm, zrow_hbm, ones_hbm,
             agg_hbm, deg_hbm,
             srci, dsti, r0, r1, agg_sh, gsem, ssem):
    cid = lax.axis_index("c")
    sid = lax.axis_index("s")
    wid = sid * NC + cid
    base = sid * ROWS_PER_TILE

    n_pieces = ROWS_PER_TILE // K
    sems = (gsem, ssem)
    bufs = (r0, r1)

    def zero_acc():
        pltpu.sync_copy(zrow_hbm, r0)
        for p in range(n_pieces):
            pltpu.async_copy(r0, agg_sh.at[pl.ds(base + p * K, K)], gsem)
        for p in range(n_pieces):
            pltpu.make_async_copy(zrow_hbm, r0, gsem).wait()

    def writeback(out_hbm):
        for p in range(min(2, n_pieces)):
            pltpu.async_copy(agg_sh.at[pl.ds(base + p * K, K)],
                             bufs[p % 2], sems[p % 2])
        for p in range(n_pieces):
            b, s = bufs[p % 2], sems[p % 2]
            pltpu.make_async_copy(zrow_hbm, b, s).wait()
            pltpu.async_copy(b, out_hbm.at[cid, pl.ds(base + p * K, K)], s)
            pltpu.make_async_copy(zrow_hbm, b, s).wait()
            if p + 2 < n_pieces:
                pltpu.async_copy(agg_sh.at[pl.ds(base + (p + 2) * K, K)],
                                 b, s)

    def wait_gather(buf):
        pltpu.make_async_copy(feat_hbm.at[pl.ds(0, K)], buf, gsem).wait()

    zero_acc()
    plsc.subcore_barrier()

    def chunk(c, carry):
        off = wid * STEPS + c * CSTEPS
        pltpu.sync_copy(src_hbm.at[pl.ds(off, CSTEPS)], srci)
        pltpu.sync_copy(dst_hbm.at[pl.ds(off, CSTEPS)], dsti)

        pltpu.async_copy(feat_hbm.at[srci.at[0]], r0, gsem)

        def pair(p, carry2):
            j0 = 2 * p
            wait_gather(r0)
            pltpu.async_copy(feat_hbm.at[srci.at[j0 + 1]], r1, gsem)
            pltpu.sync_copy(r0, agg_sh.at[dsti.at[j0]], add=True)
            wait_gather(r1)

            @pl.when(p < CSTEPS // 2 - 1)
            def _():
                pltpu.async_copy(feat_hbm.at[srci.at[j0 + 2]], r0, gsem)

            pltpu.sync_copy(r1, agg_sh.at[dsti.at[j0 + 1]], add=True)
            return carry2

        lax.fori_loop(0, CSTEPS // 2, pair, 0)
        return carry

    lax.fori_loop(0, STEPS // CSTEPS, chunk, 0)

    plsc.subcore_barrier()
    writeback(agg_hbm)

    pltpu.sync_copy(ones_hbm, r1)
    plsc.subcore_barrier()

    def chunk2(c, carry):
        off = wid * STEPS + c * CSTEPS
        pltpu.sync_copy(dst_hbm.at[pl.ds(off, CSTEPS)], dsti)

        def fire(j, carry2):
            pltpu.async_copy(r1, agg_sh.at[dsti.at[j]], ssem, add=True)
            return carry2

        lax.fori_loop(0, CSTEPS, fire, 0)

        def drain(j, carry2):
            pltpu.make_async_copy(zrow_hbm, r1, ssem).wait()
            return carry2

        lax.fori_loop(0, CSTEPS, drain, 0)
        return carry

    lax.fori_loop(0, STEPS // CSTEPS, chunk2, 0)

    plsc.subcore_barrier()
    writeback(deg_hbm)


_sc_aggregate = functools.partial(
    pl.kernel,
    _sc_body,
    out_type=(
        jax.ShapeDtypeStruct((NC, N_ACC, D), jnp.float32),
        jax.ShapeDtypeStruct((NC, N_ACC, D), jnp.float32),
    ),
    mesh=plsc.VectorSubcoreMesh(core_axis_name="c", subcore_axis_name="s"),
    scratch_types=[
        pltpu.VMEM((CSTEPS, K), jnp.int32),
        pltpu.VMEM((CSTEPS, K), jnp.int32),
        pltpu.VMEM((K, D), jnp.float32),
        pltpu.VMEM((K, D), jnp.float32),
        pltpu.VMEM_SHARED((N_ACC, D), jnp.float32),
        pltpu.SemaphoreType.DMA,
        pltpu.SemaphoreType.DMA,
    ],
)()


ROW_BLK = 1000


def _tc_body(feat, agg0, agg1, deg0, deg1, w, b, out):
    a = agg0[0] + agg1[0]
    d = (deg0[0][:, 0:1] + deg1[0][:, 0:1]) - (agg0[0][:, 0:1]
                                               + agg1[0][:, 0:1])
    mean = a / jnp.maximum(d, 1.0)
    h = jnp.where(d > 0.0, mean, feat[...])
    acc = lax.dot_general(h, w[...], (((1,), (1,)), ((), ())),
                          preferred_element_type=jnp.float32)
    out[...] = jnp.maximum(acc + b[...], 0.0)


def _tc_update(feat, agg, deg, w, b2d):
    grid = N_NODES // ROW_BLK
    blk = pl.BlockSpec((ROW_BLK, D), lambda i: (i, 0))
    c0 = pl.BlockSpec((1, ROW_BLK, D), lambda i: (0, i, 0))
    c1 = pl.BlockSpec((1, ROW_BLK, D), lambda i: (1, i, 0))
    return pl.pallas_call(
        _tc_body,
        grid=(grid,),
        in_specs=[
            blk,
            c0,
            c1,
            c0,
            c1,
            pl.BlockSpec((D, D), lambda i: (0, 0)),
            pl.BlockSpec((1, D), lambda i: (0, 0)),
        ],
        out_specs=blk,
        out_shape=jax.ShapeDtypeStruct((N_NODES, D), jnp.float32),
    )(feat, agg, agg, deg, deg, w, b2d)


@jax.jit
def kernel(feature, edge_index, W, b):
    src = edge_index[0].astype(jnp.int32)
    dst = edge_index[1].astype(jnp.int32)
    pad = E_PAD - N_EDGES
    pad_iota = jnp.arange(pad, dtype=jnp.int32)
    src_p = jnp.concatenate([src, pad_iota % N_NODES]).reshape(-1, K)
    dst_p = jnp.concatenate(
        [dst, N_NODES + pad_iota % (N_ACC - N_NODES)]).reshape(-1, K)

    zrow = jnp.zeros((K, D), jnp.float32)
    ones = jnp.ones((K, D), jnp.float32)

    agg, deg = _sc_aggregate(feature, src_p, dst_p, zrow, ones)

    return _tc_update(feature, agg, deg, W, b.reshape(1, D))

# --- scband reference (transcript-rebuilt; emitter-appended) ---
"""Pipeline reference for scband-gcn-28252294873420 (READ-ONLY COPY).

The authoritative reference and input builder live on the scoring server;
editing this copy changes nothing except your own understanding.
"""

import jax, jax.numpy as jnp
import numpy as np

N_NODES = 10000
D_IN = 128
D_OUT = 128
N_EDGES = 320000


def setup_inputs(seed: int = 0) -> dict:
    key = jax.random.key(seed)
    k1, k2, k3, k4 = jax.random.split(key, 4)
    feature = jax.random.normal(k1, (N_NODES, D_IN), dtype=jnp.float32)
    edge_index = jax.random.randint(k2, (2, N_EDGES), 0, N_NODES, dtype=jnp.int64)
    # nn.Linear(in_feats, out_feats) params (kaiming-uniform-ish init)
    bound = 1.0 / np.sqrt(D_IN)
    W = jax.random.uniform(k3, (D_OUT, D_IN), minval=-bound, maxval=bound, dtype=jnp.float32)
    b = jax.random.uniform(k4, (D_OUT,), minval=-bound, maxval=bound, dtype=jnp.float32)
    return {"feature": feature, "edge_index": edge_index, "W": W, "b": b}


def reference(feature, edge_index, W, b):
    # DGL update_all(copy_src, mean-reduce): each dst node averages incoming
    # src features; nodes with zero in-degree keep their original feature.
    src = edge_index[0]
    dst = edge_index[1]
    msgs = jnp.take(feature, src, axis=0)  # gather src features
    agg = jnp.zeros((N_NODES, D_IN), dtype=feature.dtype).at[dst].add(msgs)  # scatter-add
    deg = jnp.zeros((N_NODES,), dtype=feature.dtype).at[dst].add(1.0)
    mean = agg / jnp.maximum(deg, 1.0)[:, None]
    h = jnp.where(deg[:, None] > 0, mean, feature)
    # apply_nodes: ReLU(W h + b) on all nodes
    out = jax.nn.relu(h @ W.T + b)
    return out

if __name__ == "__main__":
    import jax
    _d = setup_inputs()
    print(jax.jit(kernel)(*tuple(_d.values())))

</pallas_src>

<mosaic_0001>
#map = affine_map<(d0, d1) -> (0, 0)>
#map1 = affine_map<(d0, d1) -> (0, 0, 0)>
module attributes {stable_mosaic.version = 14 : i64} {
  func.func @_sc_body(%arg0: i32, %arg1: i32, %arg2: memref<10000x128xf32, #tpu.memory_space<hbm>>, %arg3: memref<2560x128xi32, #tpu.memory_space<hbm>>, %arg4: memref<2560x128xi32, #tpu.memory_space<hbm>>, %arg5: memref<128x128xf32, #tpu.memory_space<hbm>>, %arg6: memref<128x128xf32, #tpu.memory_space<hbm>>, %arg7: memref<2x10240x128xf32, #tpu.memory_space<hbm>>, %arg8: memref<2x10240x128xf32, #tpu.memory_space<hbm>>, %arg9: memref<16x128xi32, #tpu.memory_space<vmem>>, %arg10: memref<16x128xi32, #tpu.memory_space<vmem>>, %arg11: memref<128x128xf32, #tpu.memory_space<vmem>>, %arg12: memref<128x128xf32, #tpu.memory_space<vmem>>, %arg13: memref<10240x128xf32, #tpu.memory_space<vmem_shared>>, %arg14: memref<!tpu.dma_semaphore, #tpu.memory_space<semaphore_mem>>, %arg15: memref<!tpu.dma_semaphore, #tpu.memory_space<semaphore_mem>>) attributes {dimension_semantics = [#tpu.dimension_semantics<core_parallel>, #tpu.dimension_semantics<subcore_parallel>], iteration_bounds = array<i64: 2, 16>, scalar_prefetch = 0 : i64, scratch_operands = 7 : i64, tpu.core_type = #tpu.core_type<sc_vector_subcore>, window_params = [{transform_indices = #map}, {transform_indices = #map}, {transform_indices = #map}, {transform_indices = #map}, {transform_indices = #map}, {transform_indices = #map1}, {transform_indices = #map1}]} {
    %mul3A = arith.constant 2 : i32
    %mul3A_0 = arith.muli %arg1, %mul3A : i32
    %add3A = arith.addi %mul3A_0, %arg0 : i32
    %mul3A_1 = arith.constant 640 : i32
    %mul3A_2 = arith.muli %arg1, %mul3A_1 : i32
    "tpu.region"() ({
      %run_scoped3A = tpu.sem_alloc : memref<!tpu.dma_semaphore, #tpu.memory_space<semaphore_mem>>
      tpu.enqueue_dma source(%arg5 : memref<128x128xf32, #tpu.memory_space<hbm>>) target(%arg11 : memref<128x128xf32, #tpu.memory_space<vmem>>) target_semaphore(%run_scoped3A : memref<!tpu.dma_semaphore, #tpu.memory_space<semaphore_mem>>)
      tpu.wait_dma2 semaphore(%run_scoped3A : memref<!tpu.dma_semaphore, #tpu.memory_space<semaphore_mem>>) src(%arg5 : memref<128x128xf32, #tpu.memory_space<hbm>>) dst(%arg11 : memref<128x128xf32, #tpu.memory_space<vmem>>)
      tpu.yield
    }) : () -> ()
    %add3A_3 = arith.constant 0 : i32
    %add3A_4 = arith.addi %mul3A_2, %add3A_3 : i32
    %dma_start3A = arith.constant 0 : i32
    %dma_start3A_5 = tpu.memref_slice %arg13[%add3A_4, %dma_start3A] : memref<10240x128xf32, #tpu.memory_space<vmem_shared>> -> memref<128x128xf32, #tpu.memory_space<vmem_shared>>
    %dma_start3A_6 = arith.constant 0 : i32
    %dma_start3A_7 = tpu.memref_slice %arg13[%add3A_4, %dma_start3A_6] : memref<10240x128xf32, #tpu.memory_space<vmem_shared>> -> memref<128x128xf32, #tpu.memory_space<vmem_shared>>
    tpu.enqueue_dma source(%arg11 : memref<128x128xf32, #tpu.memory_space<vmem>>) target(%dma_start3A_7 : memref<128x128xf32, #tpu.memory_space<vmem_shared>>) target_semaphore(%arg14 : memref<!tpu.dma_semaphore, #tpu.memory_space<semaphore_mem>>)
    %add3A_8 = arith.constant 128 : i32
    %add3A_9 = arith.addi %mul3A_2, %add3A_8 : i32
    %dma_start3A_10 = arith.constant 0 : i32
    %dma_start3A_11 = tpu.memref_slice %arg13[%add3A_9, %dma_start3A_10] : memref<10240x128xf32, #tpu.memory_space<vmem_shared>> -> memref<128x128xf32, #tpu.memory_space<vmem_shared>>
    %dma_start3A_12 = arith.constant 0 : i32
    %dma_start3A_13 = tpu.memref_slice %arg13[%add3A_9, %dma_start3A_12] : memref<10240x128xf32, #tpu.memory_space<vmem_shared>> -> memref<128x128xf32, #tpu.memory_space<vmem_shared>>
    tpu.enqueue_dma source(%arg11 : memref<128x128xf32, #tpu.memory_space<vmem>>) target(%dma_start3A_13 : memref<128x128xf32, #tpu.memory_space<vmem_shared>>) target_semaphore(%arg14 : memref<!tpu.dma_semaphore, #tpu.memory_space<semaphore_mem>>)
    %add3A_14 = arith.constant 256 : i32
    %add3A_15 = arith.addi %mul3A_2, %add3A_14 : i32
    %dma_start3A_16 = arith.constant 0 : i32
    %dma_start3A_17 = tpu.memref_slice %arg13[%add3A_15, %dma_start3A_16] : memref<10240x128xf32, #tpu.memory_space<vmem_shared>> -> memref<128x128xf32, #tpu.memory_space<vmem_shared>>
    %dma_start3A_18 = arith.constant 0 : i32
    %dma_start3A_19 = tpu.memref_slice %arg13[%add3A_15, %dma_start3A_18] : memref<10240x128xf32, #tpu.memory_space<vmem_shared>> -> memref<128x128xf32, #tpu.memory_space<vmem_shared>>
    tpu.enqueue_dma source(%arg11 : memref<128x128xf32, #tpu.memory_space<vmem>>) target(%dma_start3A_19 : memref<128x128xf32, #tpu.memory_space<vmem_shared>>) target_semaphore(%arg14 : memref<!tpu.dma_semaphore, #tpu.memory_space<semaphore_mem>>)
    %add3A_20 = arith.constant 384 : i32
    %add3A_21 = arith.addi %mul3A_2, %add3A_20 : i32
    %dma_start3A_22 = arith.constant 0 : i32
    %dma_start3A_23 = tpu.memref_slice %arg13[%add3A_21, %dma_start3A_22] : memref<10240x128xf32, #tpu.memory_space<vmem_shared>> -> memref<128x128xf32, #tpu.memory_space<vmem_shared>>
    %dma_start3A_24 = arith.constant 0 : i32
    %dma_start3A_25 = tpu.memref_slice %arg13[%add3A_21, %dma_start3A_24] : memref<10240x128xf32, #tpu.memory_space<vmem_shared>> -> memref<128x128xf32, #tpu.memory_space<vmem_shared>>
    tpu.enqueue_dma source(%arg11 : memref<128x128xf32, #tpu.memory_space<vmem>>) target(%dma_start3A_25 : memref<128x128xf32, #tpu.memory_space<vmem_shared>>) target_semaphore(%arg14 : memref<!tpu.dma_semaphore, #tpu.memory_space<semaphore_mem>>)
    %add3A_26 = arith.constant 512 : i32
    %add3A_27 = arith.addi %mul3A_2, %add3A_26 : i32
    %dma_start3A_28 = arith.constant 0 : i32
    %dma_start3A_29 = tpu.memref_slice %arg13[%add3A_27, %dma_start3A_28] : memref<10240x128xf32, #tpu.memory_space<vmem_shared>> -> memref<128x128xf32, #tpu.memory_space<vmem_shared>>
    %dma_start3A_30 = arith.constant 0 : i32
    %dma_start3A_31 = tpu.memref_slice %arg13[%add3A_27, %dma_start3A_30] : memref<10240x128xf32, #tpu.memory_space<vmem_shared>> -> memref<128x128xf32, #tpu.memory_space<vmem_shared>>
    tpu.enqueue_dma source(%arg11 : memref<128x128xf32, #tpu.memory_space<vmem>>) target(%dma_start3A_31 : memref<128x128xf32, #tpu.memory_space<vmem_shared>>) target_semaphore(%arg14 : memref<!tpu.dma_semaphore, #tpu.memory_space<semaphore_mem>>)
    tpu.wait_dma2 semaphore(%arg14 : memref<!tpu.dma_semaphore, #tpu.memory_space<semaphore_mem>>) src(%arg5 : memref<128x128xf32, #tpu.memory_space<hbm>>) dst(%arg11 : memref<128x128xf32, #tpu.memory_space<vmem>>)
    tpu.wait_dma2 semaphore(%arg14 : memref<!tpu.dma_semaphore, #tpu.memory_space<semaphore_mem>>) src(%arg5 : memref<128x128xf32, #tpu.memory_space<hbm>>) dst(%arg11 : memref<128x128xf32, #tpu.memory_space<vmem>>)
    tpu.wait_dma2 semaphore(%arg14 : memref<!tpu.dma_semaphore, #tpu.memory_space<semaphore_mem>>) src(%arg5 : memref<128x128xf32, #tpu.memory_space<hbm>>) dst(%arg11 : memref<128x128xf32, #tpu.memory_space<vmem>>)
    tpu.wait_dma2 semaphore(%arg14 : memref<!tpu.dma_semaphore, #tpu.memory_space<semaphore_mem>>) src(%arg5 : memref<128x128xf32, #tpu.memory_space<hbm>>) dst(%arg11 : memref<128x128xf32, #tpu.memory_space<vmem>>)
    tpu.wait_dma2 semaphore(%arg14 : memref<!tpu.dma_semaphore, #tpu.memory_space<semaphore_mem>>) src(%arg5 : memref<128x128xf32, #tpu.memory_space<hbm>>) dst(%arg11 : memref<128x128xf32, #tpu.memory_space<vmem>>)
    %barrier3A = arith.constant 0 : index
    tpu.barrier barrier_id(%barrier3A)
    %scan3A = arith.constant 0 : i32
    %scan3A_32 = arith.constant 0 : i32
    %scan3A_33 = arith.constant 5 : i32
    %scan3A_34 = arith.addi %scan3A_32, %scan3A_33 : i32
    %scan3A_35 = arith.constant 1 : i32
    scf.for %scan3A_186 = %scan3A_32 to %scan3A_34 step %scan3A_35  : i32 {
      %mul3A_187 = arith.constant 80 : i32
      %mul3A_188 = arith.muli %add3A, %mul3A_187 : i32
      %mul3A_189 = arith.constant 16 : i32
      %mul3A_190 = arith.muli %scan3A_186, %mul3A_189 : i32
      %add3A_191 = arith.addi %mul3A_188, %mul3A_190 : i32
      "tpu.region"() ({
        %run_scoped3A = tpu.sem_alloc : memref<!tpu.dma_semaphore, #tpu.memory_space<semaphore_mem>>
        %dma_start3A_205 = arith.constant 0 : i32
        %dma_start3A_206 = tpu.memref_slice %arg3[%add3A_191, %dma_start3A_205] : memref<2560x128xi32, #tpu.memory_space<hbm>> -> memref<16x128xi32, #tpu.memory_space<hbm>>
        %dma_start3A_207 = arith.constant 0 : i32
        %dma_start3A_208 = tpu.memref_slice %arg3[%add3A_191, %dma_start3A_207] : memref<2560x128xi32, #tpu.memory_space<hbm>> -> memref<16x128xi32, #tpu.memory_space<hbm>>
        tpu.enqueue_dma source(%dma_start3A_208 : memref<16x128xi32, #tpu.memory_space<hbm>>) target(%arg9 : memref<16x128xi32, #tpu.memory_space<vmem>>) target_semaphore(%run_scoped3A : memref<!tpu.dma_semaphore, #tpu.memory_space<semaphore_mem>>)
        %dma_wait3A = arith.constant 0 : i32
        %dma_wait3A_209 = tpu.memref_slice %arg3[%add3A_191, %dma_wait3A] : memref<2560x128xi32, #tpu.memory_space<hbm>> -> memref<16x128xi32, #tpu.memory_space<hbm>>
        %dma_wait3A_210 = arith.constant 0 : i32
        %dma_wait3A_211 = tpu.memref_slice %arg3[%add3A_191, %dma_wait3A_210] : memref<2560x128xi32, #tpu.memory_space<hbm>> -> memref<16x128xi32, #tpu.memory_space<hbm>>
        tpu.wait_dma2 semaphore(%run_scoped3A : memref<!tpu.dma_semaphore, #tpu.memory_space<semaphore_mem>>) src(%dma_wait3A_211 : memref<16x128xi32, #tpu.memory_space<hbm>>) dst(%arg9 : memref<16x128xi32, #tpu.memory_space<vmem>>)
        tpu.yield
      }) : () -> ()
      "tpu.region"() ({
        %run_scoped3A = tpu.sem_alloc : memref<!tpu.dma_semaphore, #tpu.memory_space<semaphore_mem>>
        %dma_start3A_205 = arith.constant 0 : i32
        %dma_start3A_206 = tpu.memref_slice %arg4[%add3A_191, %dma_start3A_205] : memref<2560x128xi32, #tpu.memory_space<hbm>> -> memref<16x128xi32, #tpu.memory_space<hbm>>
        %dma_start3A_207 = arith.constant 0 : i32
        %dma_start3A_208 = tpu.memref_slice %arg4[%add3A_191, %dma_start3A_207] : memref<2560x128xi32, #tpu.memory_space<hbm>> -> memref<16x128xi32, #tpu.memory_space<hbm>>
        tpu.enqueue_dma source(%dma_start3A_208 : memref<16x128xi32, #tpu.memory_space<hbm>>) target(%arg10 : memref<16x128xi32, #tpu.memory_space<vmem>>) target_semaphore(%run_scoped3A : memref<!tpu.dma_semaphore, #tpu.memory_space<semaphore_mem>>)
        %dma_wait3A = arith.constant 0 : i32
        %dma_wait3A_209 = tpu.memref_slice %arg4[%add3A_191, %dma_wait3A] : memref<2560x128xi32, #tpu.memory_space<hbm>> -> memref<16x128xi32, #tpu.memory_space<hbm>>
        %dma_wait3A_210 = arith.constant 0 : i32
        %dma_wait3A_211 = tpu.memref_slice %arg4[%add3A_191, %dma_wait3A_210] : memref<2560x128xi32, #tpu.memory_space<hbm>> -> memref<16x128xi32, #tpu.memory_space<hbm>>
        tpu.wait_dma2 semaphore(%run_scoped3A : memref<!tpu.dma_semaphore, #tpu.memory_space<semaphore_mem>>) src(%dma_wait3A_211 : memref<16x128xi32, #tpu.memory_space<hbm>>) dst(%arg10 : memref<16x128xi32, #tpu.memory_space<vmem>>)
        tpu.yield
      }) : () -> ()
      %dma_start3A_192 = arith.constant 0 : i32
      %dma_start3A_193 = arith.constant 0 : i32
      %dma_start3A_194 = tpu.memref_slice %arg9[%dma_start3A_192, %dma_start3A_193] : memref<16x128xi32, #tpu.memory_space<vmem>> -> memref<1x128xi32, #tpu.memory_space<vmem>>
      %dma_start3A_195 = tpu.memref_squeeze %dma_start3A_194 : memref<1x128xi32, #tpu.memory_space<vmem>> -> memref<128xi32, #tpu.memory_space<vmem>>
      %dma_start3A_196 = arith.constant 0 : i32
      %dma_start3A_197 = arith.constant 0 : i32
      %dma_start3A_198 = tpu.memref_slice %arg2[%dma_start3A_196, %dma_start3A_197] : memref<10000x128xf32, #tpu.memory_space<hbm>> -> memref<10000x128xf32, #tpu.memory_space<hbm>>
      tpu.enqueue_indirect_dma source(%dma_start3A_198 : memref<10000x128xf32, #tpu.memory_space<hbm>>) target(%arg11 : memref<128x128xf32, #tpu.memory_space<vmem>>) offsets(%dma_start3A_195 : memref<128xi32, #tpu.memory_space<vmem>>) semaphore(%arg14 : memref<!tpu.dma_semaphore, #tpu.memory_space<semaphore_mem>>)
      %scan3A_199 = arith.constant 0 : i32
      %scan3A_200 = arith.constant 0 : i32
      %scan3A_201 = arith.constant 8 : i32
      %scan3A_202 = arith.addi %scan3A_200, %scan3A_201 : i32
      %scan3A_203 = arith.constant 1 : i32
      scf.for %scan3A_205 = %scan3A_200 to %scan3A_202 step %scan3A_203  : i32 {
        %mul3A_206 = arith.constant 2 : i32
        %mul3A_207 = arith.muli %mul3A_206, %scan3A_205 : i32
        %dma_wait3A = arith.constant 0 : i32
        %dma_wait3A_208 = arith.constant 0 : i32
        %dma_wait3A_209 = tpu.memref_slice %arg2[%dma_wait3A, %dma_wait3A_208] : memref<10000x128xf32, #tpu.memory_space<hbm>> -> memref<128x128xf32, #tpu.memory_space<hbm>>
        %dma_wait3A_210 = arith.constant 0 : i32
        %dma_wait3A_211 = arith.constant 0 : i32
        %dma_wait3A_212 = tpu.memref_slice %arg2[%dma_wait3A_210, %dma_wait3A_211] : memref<10000x128xf32, #tpu.memory_space<hbm>> -> memref<128x128xf32, #tpu.memory_space<hbm>>
        tpu.wait_dma2 semaphore(%arg14 : memref<!tpu.dma_semaphore, #tpu.memory_space<semaphore_mem>>) src(%dma_wait3A_212 : memref<128x128xf32, #tpu.memory_space<hbm>>) dst(%arg11 : memref<128x128xf32, #tpu.memory_space<vmem>>)
        %add3A_213 = arith.constant 1 : i32
        %add3A_214 = arith.addi %mul3A_207, %add3A_213 : i32
        %dma_start3A_215 = arith.constant 0 : i32
        %dma_start3A_216 = tpu.memref_slice %arg9[%add3A_214, %dma_start3A_215] : memref<16x128xi32, #tpu.memory_space<vmem>> -> memref<1x128xi32, #tpu.memory_space<vmem>>
        %dma_start3A_217 = tpu.memref_squeeze %dma_start3A_216 : memref<1x128xi32, #tpu.memory_space<vmem>> -> memref<128xi32, #tpu.memory_space<vmem>>
        %dma_start3A_218 = arith.constant 0 : i32
        %dma_start3A_219 = arith.constant 0 : i32
        %dma_start3A_220 = tpu.memref_slice %arg2[%dma_start3A_218, %dma_start3A_219] : memref<10000x128xf32, #tpu.memory_space<hbm>> -> memref<10000x128xf32, #tpu.memory_space<hbm>>
        tpu.enqueue_indirect_dma source(%dma_start3A_220 : memref<10000x128xf32, #tpu.memory_space<hbm>>) target(%arg12 : memref<128x128xf32, #tpu.memory_space<vmem>>) offsets(%dma_start3A_217 : memref<128xi32, #tpu.memory_space<vmem>>) semaphore(%arg14 : memref<!tpu.dma_semaphore, #tpu.memory_space<semaphore_mem>>)
        "tpu.region"() ({
          %run_scoped3A = tpu.sem_alloc : memref<!tpu.dma_semaphore, #tpu.memory_space<semaphore_mem>>
          %dma_start3A_231 = arith.constant 0 : i32
          %dma_start3A_232 = tpu.memref_slice %arg10[%mul3A_207, %dma_start3A_231] : memref<16x128xi32, #tpu.memory_space<vmem>> -> memref<1x128xi32, #tpu.memory_space<vmem>>
          %dma_start3A_233 = tpu.memref_squeeze %dma_start3A_232 : memref<1x128xi32, #tpu.memory_space<vmem>> -> memref<128xi32, #tpu.memory_space<vmem>>
          %dma_start3A_234 = arith.constant 0 : i32
          %dma_start3A_235 = arith.constant 0 : i32
          %dma_start3A_236 = tpu.memref_slice %arg13[%dma_start3A_234, %dma_start3A_235] : memref<10240x128xf32, #tpu.memory_space<vmem_shared>> -> memref<10240x128xf32, #tpu.memory_space<vmem_shared>>
          tpu.enqueue_indirect_dma source(%arg11 : memref<128x128xf32, #tpu.memory_space<vmem>>) target(%dma_start3A_236 : memref<10240x128xf32, #tpu.memory_space<vmem_shared>>) offsets(%dma_start3A_233 : memref<128xi32, #tpu.memory_space<vmem>>) semaphore(%run_scoped3A : memref<!tpu.dma_semaphore, #tpu.memory_space<semaphore_mem>>) {add = true}
          %dma_wait3A_237 = arith.constant 0 : i32
          %dma_wait3A_238 = tpu.memref_slice %arg10[%mul3A_207, %dma_wait3A_237] : memref<16x128xi32, #tpu.memory_space<vmem>> -> memref<1x128xi32, #tpu.memory_space<vmem>>
          %dma_wait3A_239 = tpu.memref_squeeze %dma_wait3A_238 : memref<1x128xi32, #tpu.memory_space<vmem>> -> memref<128xi32, #tpu.memory_space<vmem>>
          %dma_wait3A_240 = arith.constant 0 : i32
          %dma_wait3A_241 = arith.constant 0 : i32
          %dma_wait3A_242 = tpu.memref_slice %arg13[%dma_wait3A_240, %dma_wait3A_241] : memref<10240x128xf32, #tpu.memory_space<vmem_shared>> -> memref<10240x128xf32, #tpu.memory_space<vmem_shared>>
          tpu.wait_indirect_dma semaphore(%run_scoped3A : memref<!tpu.dma_semaphore, #tpu.memory_space<semaphore_mem>>) src(%arg11 : memref<128x128xf32, #tpu.memory_space<vmem>>) dst(%dma_wait3A_242 : memref<10240x128xf32, #tpu.memory_space<vmem_shared>>)
          tpu.yield
        }) : () -> ()
        %dma_wait3A_221 = arith.constant 0 : i32
        %dma_wait3A_222 = arith.constant 0 : i32
        %dma_wait3A_223 = tpu.memref_slice %arg2[%dma_wait3A_221, %dma_wait3A_222] : memref<10000x128xf32, #tpu.memory_space<hbm>> -> memref<128x128xf32, #tpu.memory_space<hbm>>
        %dma_wait3A_224 = arith.constant 0 : i32
        %dma_wait3A_225 = arith.constant 0 : i32
        %dma_wait3A_226 = tpu.memref_slice %arg2[%dma_wait3A_224, %dma_wait3A_225] : memref<10000x128xf32, #tpu.memory_space<hbm>> -> memref<128x128xf32, #tpu.memory_space<hbm>>
        tpu.wait_dma2 semaphore(%arg14 : memref<!tpu.dma_semaphore, #tpu.memory_space<semaphore_mem>>) src(%dma_wait3A_226 : memref<128x128xf32, #tpu.memory_space<hbm>>) dst(%arg12 : memref<128x128xf32, #tpu.memory_space<vmem>>)
        %lt3A = arith.constant 7 : i32
        %lt3A_227 = arith.cmpi slt, %scan3A_205, %lt3A : i32
        %convert_element_type3A = arith.extui %lt3A_227 : i1 to i32
        %cond3A = arith.constant 0 : i32
        %cond3A_228 = arith.cmpi ne, %convert_element_type3A, %cond3A : i32
        scf.if %cond3A_228 {
          %add3A_231 = arith.constant 2 : i32
          %add3A_232 = arith.addi %mul3A_207, %add3A_231 : i32
          %dma_start3A_233 = arith.constant 0 : i32
          %dma_start3A_234 = tpu.memref_slice %arg9[%add3A_232, %dma_start3A_233] : memref<16x128xi32, #tpu.memory_space<vmem>> -> memref<1x128xi32, #tpu.memory_space<vmem>>
          %dma_start3A_235 = tpu.memref_squeeze %dma_start3A_234 : memref<1x128xi32, #tpu.memory_space<vmem>> -> memref<128xi32, #tpu.memory_space<vmem>>
          %dma_start3A_236 = arith.constant 0 : i32
          %dma_start3A_237 = arith.constant 0 : i32
          %dma_start3A_238 = tpu.memref_slice %arg2[%dma_start3A_236, %dma_start3A_237] : memref<10000x128xf32, #tpu.memory_space<hbm>> -> memref<10000x128xf32, #tpu.memory_space<hbm>>
          tpu.enqueue_indirect_dma source(%dma_start3A_238 : memref<10000x128xf32, #tpu.memory_space<hbm>>) target(%arg11 : memref<128x128xf32, #tpu.memory_space<vmem>>) offsets(%dma_start3A_235 : memref<128xi32, #tpu.memory_space<vmem>>) semaphore(%arg14 : memref<!tpu.dma_semaphore, #tpu.memory_space<semaphore_mem>>)
        } else {
        }
        %add3A_229 = arith.constant 1 : i32
        %add3A_230 = arith.addi %mul3A_207, %add3A_229 : i32
        "tpu.region"() ({
          %run_scoped3A = tpu.sem_alloc : memref<!tpu.dma_semaphore, #tpu.memory_space<semaphore_mem>>
          %dma_start3A_231 = arith.constant 0 : i32
          %dma_start3A_232 = tpu.memref_slice %arg10[%add3A_230, %dma_start3A_231] : memref<16x128xi32, #tpu.memory_space<vmem>> -> memref<1x128xi32, #tpu.memory_space<vmem>>
          %dma_start3A_233 = tpu.memref_squeeze %dma_start3A_232 : memref<1x128xi32, #tpu.memory_space<vmem>> -> memref<128xi32, #tpu.memory_space<vmem>>
          %dma_start3A_234 = arith.constant 0 : i32
          %dma_start3A_235 = arith.constant 0 : i32
          %dma_start3A_236 = tpu.memref_slice %arg13[%dma_start3A_234, %dma_start3A_235] : memref<10240x128xf32, #tpu.memory_space<vmem_shared>> -> memref<10240x128xf32, #tpu.memory_space<vmem_shared>>
          tpu.enqueue_indirect_dma source(%arg12 : memref<128x128xf32, #tpu.memory_space<vmem>>) target(%dma_start3A_236 : memref<10240x128xf32, #tpu.memory_space<vmem_shared>>) offsets(%dma_start3A_233 : memref<128xi32, #tpu.memory_space<vmem>>) semaphore(%run_scoped3A : memref<!tpu.dma_semaphore, #tpu.memory_space<semaphore_mem>>) {add = true}
          %dma_wait3A_237 = arith.constant 0 : i32
          %dma_wait3A_238 = tpu.memref_slice %arg10[%add3A_230, %dma_wait3A_237] : memref<16x128xi32, #tpu.memory_space<vmem>> -> memref<1x128xi32, #tpu.memory_space<vmem>>
          %dma_wait3A_239 = tpu.memref_squeeze %dma_wait3A_238 : memref<1x128xi32, #tpu.memory_space<vmem>> -> memref<128xi32, #tpu.memory_space<vmem>>
          %dma_wait3A_240 = arith.constant 0 : i32
          %dma_wait3A_241 = arith.constant 0 : i32
          %dma_wait3A_242 = tpu.memref_slice %arg13[%dma_wait3A_240, %dma_wait3A_241] : memref<10240x128xf32, #tpu.memory_space<vmem_shared>> -> memref<10240x128xf32, #tpu.memory_space<vmem_shared>>
          tpu.wait_indirect_dma semaphore(%run_scoped3A : memref<!tpu.dma_semaphore, #tpu.memory_space<semaphore_mem>>) src(%arg12 : memref<128x128xf32, #tpu.memory_space<vmem>>) dst(%dma_wait3A_242 : memref<10240x128xf32, #tpu.memory_space<vmem_shared>>)
          tpu.yield
        }) : () -> ()
      }
      %scan3A_204 = arith.constant 8 : i32
    }
    %scan3A_36 = arith.constant 5 : i32
    %barrier3A_37 = arith.constant 0 : index
    tpu.barrier barrier_id(%barrier3A_37)
    %add3A_38 = arith.constant 0 : i32
    %add3A_39 = arith.addi %mul3A_2, %add3A_38 : i32
    %dma_start3A_40 = arith.constant 0 : i32
    %dma_start3A_41 = tpu.memref_slice %arg13[%add3A_39, %dma_start3A_40] : memref<10240x128xf32, #tpu.memory_space<vmem_shared>> -> memref<128x128xf32, #tpu.memory_space<vmem_shared>>
    %dma_start3A_42 = arith.constant 0 : i32
    %dma_start3A_43 = tpu.memref_slice %arg13[%add3A_39, %dma_start3A_42] : memref<10240x128xf32, #tpu.memory_space<vmem_shared>> -> memref<128x128xf32, #tpu.memory_space<vmem_shared>>
    tpu.enqueue_dma source(%dma_start3A_43 : memref<128x128xf32, #tpu.memory_space<vmem_shared>>) target(%arg11 : memref<128x128xf32, #tpu.memory_space<vmem>>) target_semaphore(%arg14 : memref<!tpu.dma_semaphore, #tpu.memory_space<semaphore_mem>>)
    %add3A_44 = arith.constant 128 : i32
    %add3A_45 = arith.addi %mul3A_2, %add3A_44 : i32
    %dma_start3A_46 = arith.constant 0 : i32
    %dma_start3A_47 = tpu.memref_slice %arg13[%add3A_45, %dma_start3A_46] : memref<10240x128xf32, #tpu.memory_space<vmem_shared>> -> memref<128x128xf32, #tpu.memory_space<vmem_shared>>
    %dma_start3A_48 = arith.constant 0 : i32
    %dma_start3A_49 = tpu.memref_slice %arg13[%add3A_45, %dma_start3A_48] : memref<10240x128xf32, #tpu.memory_space<vmem_shared>> -> memref<128x128xf32, #tpu.memory_space<vmem_shared>>
    tpu.enqueue_dma source(%dma_start3A_49 : memref<128x128xf32, #tpu.memory_space<vmem_shared>>) target(%arg12 : memref<128x128xf32, #tpu.memory_space<vmem>>) target_semaphore(%arg15 : memref<!tpu.dma_semaphore, #tpu.memory_space<semaphore_mem>>)
    tpu.wait_dma2 semaphore(%arg14 : memref<!tpu.dma_semaphore, #tpu.memory_space<semaphore_mem>>) src(%arg5 : memref<128x128xf32, #tpu.memory_space<hbm>>) dst(%arg11 : memref<128x128xf32, #tpu.memory_space<vmem>>)
    %add3A_50 = arith.constant 0 : i32
    %add3A_51 = arith.addi %mul3A_2, %add3A_50 : i32
    %dma_start3A_52 = arith.constant 0 : i32
    %dma_start3A_53 = tpu.memref_slice %arg7[%arg0, %add3A_51, %dma_start3A_52] : memref<2x10240x128xf32, #tpu.memory_space<hbm>> -> memref<1x128x128xf32, #tpu.memory_space<hbm>>
    %dma_start3A_54 = tpu.memref_squeeze %dma_start3A_53 : memref<1x128x128xf32, #tpu.memory_space<hbm>> -> memref<128x128xf32, #tpu.memory_space<hbm>>
    %dma_start3A_55 = arith.constant 0 : i32
    %dma_start3A_56 = tpu.memref_slice %arg7[%arg0, %add3A_51, %dma_start3A_55] : memref<2x10240x128xf32, #tpu.memory_space<hbm>> -> memref<1x128x128xf32, #tpu.memory_space<hbm>>
    %dma_start3A_57 = tpu.memref_squeeze %dma_start3A_56 : memref<1x128x128xf32, #tpu.memory_space<hbm>> -> memref<128x128xf32, #tpu.memory_space<hbm>>
    tpu.enqueue_dma source(%arg11 : memref<128x128xf32, #tpu.memory_space<vmem>>) target(%dma_start3A_57 : memref<128x128xf32, #tpu.memory_space<hbm>>) target_semaphore(%arg14 : memref<!tpu.dma_semaphore, #tpu.memory_space<semaphore_mem>>)
    tpu.wait_dma2 semaphore(%arg14 : memref<!tpu.dma_semaphore, #tpu.memory_space<semaphore_mem>>) src(%arg5 : memref<128x128xf32, #tpu.memory_space<hbm>>) dst(%arg11 : memref<128x128xf32, #tpu.memory_space<vmem>>)
    %add3A_58 = arith.constant 256 : i32
    %add3A_59 = arith.addi %mul3A_2, %add3A_58 : i32
    %dma_start3A_60 = arith.constant 0 : i32
    %dma_start3A_61 = tpu.memref_slice %arg13[%add3A_59, %dma_start3A_60] : memref<10240x128xf32, #tpu.memory_space<vmem_shared>> -> memref<128x128xf32, #tpu.memory_space<vmem_shared>>
    %dma_start3A_62 = arith.constant 0 : i32
    %dma_start3A_63 = tpu.memref_slice %arg13[%add3A_59, %dma_start3A_62] : memref<10240x128xf32, #tpu.memory_space<vmem_shared>> -> memref<128x128xf32, #tpu.memory_space<vmem_shared>>
    tpu.enqueue_dma source(%dma_start3A_63 : memref<128x128xf32, #tpu.memory_space<vmem_shared>>) target(%arg11 : memref<128x128xf32, #tpu.memory_space<vmem>>) target_semaphore(%arg14 : memref<!tpu.dma_semaphore, #tpu.memory_space<semaphore_mem>>)
    tpu.wait_dma2 semaphore(%arg15 : memref<!tpu.dma_semaphore, #tpu.memory_space<semaphore_mem>>) src(%arg5 : memref<128x128xf32, #tpu.memory_space<hbm>>) dst(%arg12 : memref<128x128xf32, #tpu.memory_space<vmem>>)
    %add3A_64 = arith.constant 128 : i32
    %add3A_65 = arith.addi %mul3A_2, %add3A_64 : i32
    %dma_start3A_66 = arith.constant 0 : i32
    %dma_start3A_67 = tpu.memref_slice %arg7[%arg0, %add3A_65, %dma_start3A_66] : memref<2x10240x128xf32, #tpu.memory_space<hbm>> -> memref<1x128x128xf32, #tpu.memory_space<hbm>>
    %dma_start3A_68 = tpu.memref_squeeze %dma_start3A_67 : memref<1x128x128xf32, #tpu.memory_space<hbm>> -> memref<128x128xf32, #tpu.memory_space<hbm>>
    %dma_start3A_69 = arith.constant 0 : i32
    %dma_start3A_70 = tpu.memref_slice %arg7[%arg0, %add3A_65, %dma_start3A_69] : memref<2x10240x128xf32, #tpu.memory_space<hbm>> -> memref<1x128x128xf32, #tpu.memory_space<hbm>>
    %dma_start3A_71 = tpu.memref_squeeze %dma_start3A_70 : memref<1x128x128xf32, #tpu.memory_space<hbm>> -> memref<128x128xf32, #tpu.memory_space<hbm>>
    tpu.enqueue_dma source(%arg12 : memref<128x128xf32, #tpu.memory_space<vmem>>) target(%dma_start3A_71 : memref<128x128xf32, #tpu.memory_space<hbm>>) target_semaphore(%arg15 : memref<!tpu.dma_semaphore, #tpu.memory_space<semaphore_mem>>)
    tpu.wait_dma2 semaphore(%arg15 : memref<!tpu.dma_semaphore, #tpu.memory_space<semaphore_mem>>) src(%arg5 : memref<128x128xf32, #tpu.memory_space<hbm>>) dst(%arg12 : memref<128x128xf32, #tpu.memory_space<vmem>>)
    %add3A_72 = arith.constant 384 : i32
    %add3A_73 = arith.addi %mul3A_2, %add3A_72 : i32
    %dma_start3A_74 = arith.constant 0 : i32
    %dma_start3A_75 = tpu.memref_slice %arg13[%add3A_73, %dma_start3A_74] : memref<10240x128xf32, #tpu.memory_space<vmem_shared>> -> memref<128x128xf32, #tpu.memory_space<vmem_shared>>
    %dma_start3A_76 = arith.constant 0 : i32
    %dma_start3A_77 = tpu.memref_slice %arg13[%add3A_73, %dma_start3A_76] : memref<10240x128xf32, #tpu.memory_space<vmem_shared>> -> memref<128x128xf32, #tpu.memory_space<vmem_shared>>
    tpu.enqueue_dma source(%dma_start3A_77 : memref<128x128xf32, #tpu.memory_space<vmem_shared>>) target(%arg12 : memref<128x128xf32, #tpu.memory_space<vmem>>) target_semaphore(%arg15 : memref<!tpu.dma_semaphore, #tpu.memory_space<semaphore_mem>>)
    tpu.wait_dma2 semaphore(%arg14 : memref<!tpu.dma_semaphore, #tpu.memory_space<semaphore_mem>>) src(%arg5 : memref<128x128xf32, #tpu.memory_space<hbm>>) dst(%arg11 : memref<128x128xf32, #tpu.memory_space<vmem>>)
    %add3A_78 = arith.constant 256 : i32
    %add3A_79 = arith.addi %mul3A_2, %add3A_78 : i32
    %dma_start3A_80 = arith.constant 0 : i32
    %dma_start3A_81 = tpu.memref_slice %arg7[%arg0, %add3A_79, %dma_start3A_80] : memref<2x10240x128xf32, #tpu.memory_space<hbm>> -> memref<1x128x128xf32, #tpu.memory_space<hbm>>
    %dma_start3A_82 = tpu.memref_squeeze %dma_start3A_81 : memref<1x128x128xf32, #tpu.memory_space<hbm>> -> memref<128x128xf32, #tpu.memory_space<hbm>>
    %dma_start3A_83 = arith.constant 0 : i32
    %dma_start3A_84 = tpu.memref_slice %arg7[%arg0, %add3A_79, %dma_start3A_83] : memref<2x10240x128xf32, #tpu.memory_space<hbm>> -> memref<1x128x128xf32, #tpu.memory_space<hbm>>
    %dma_start3A_85 = tpu.memref_squeeze %dma_start3A_84 : memref<1x128x128xf32, #tpu.memory_space<hbm>> -> memref<128x128xf32, #tpu.memory_space<hbm>>
    tpu.enqueue_dma source(%arg11 : memref<128x128xf32, #tpu.memory_space<vmem>>) target(%dma_start3A_85 : memref<128x128xf32, #tpu.memory_space<hbm>>) target_semaphore(%arg14 : memref<!tpu.dma_semaphore, #tpu.memory_space<semaphore_mem>>)
    tpu.wait_dma2 semaphore(%arg14 : memref<!tpu.dma_semaphore, #tpu.memory_space<semaphore_mem>>) src(%arg5 : memref<128x128xf32, #tpu.memory_space<hbm>>) dst(%arg11 : memref<128x128xf32, #tpu.memory_space<vmem>>)
    %add3A_86 = arith.constant 512 : i32
    %add3A_87 = arith.addi %mul3A_2, %add3A_86 : i32
    %dma_start3A_88 = arith.constant 0 : i32
    %dma_start3A_89 = tpu.memref_slice %arg13[%add3A_87, %dma_start3A_88] : memref<10240x128xf32, #tpu.memory_space<vmem_shared>> -> memref<128x128xf32, #tpu.memory_space<vmem_shared>>
    %dma_start3A_90 = arith.constant 0 : i32
    %dma_start3A_91 = tpu.memref_slice %arg13[%add3A_87, %dma_start3A_90] : memref<10240x128xf32, #tpu.memory_space<vmem_shared>> -> memref<128x128xf32, #tpu.memory_space<vmem_shared>>
    tpu.enqueue_dma source(%dma_start3A_91 : memref<128x128xf32, #tpu.memory_space<vmem_shared>>) target(%arg11 : memref<128x128xf32, #tpu.memory_space<vmem>>) target_semaphore(%arg14 : memref<!tpu.dma_semaphore, #tpu.memory_space<semaphore_mem>>)
    tpu.wait_dma2 semaphore(%arg15 : memref<!tpu.dma_semaphore, #tpu.memory_space<semaphore_mem>>) src(%arg5 : memref<128x128xf32, #tpu.memory_space<hbm>>) dst(%arg12 : memref<128x128xf32, #tpu.memory_space<vmem>>)
    %add3A_92 = arith.constant 384 : i32
    %add3A_93 = arith.addi %mul3A_2, %add3A_92 : i32
    %dma_start3A_94 = arith.constant 0 : i32
    %dma_start3A_95 = tpu.memref_slice %arg7[%arg0, %add3A_93, %dma_start3A_94] : memref<2x10240x128xf32, #tpu.memory_space<hbm>> -> memref<1x128x128xf32, #tpu.memory_space<hbm>>
    %dma_start3A_96 = tpu.memref_squeeze %dma_start3A_95 : memref<1x128x128xf32, #tpu.memory_space<hbm>> -> memref<128x128xf32, #tpu.memory_space<hbm>>
    %dma_start3A_97 = arith.constant 0 : i32
    %dma_start3A_98 = tpu.memref_slice %arg7[%arg0, %add3A_93, %dma_start3A_97] : memref<2x10240x128xf32, #tpu.memory_space<hbm>> -> memref<1x128x128xf32, #tpu.memory_space<hbm>>
    %dma_start3A_99 = tpu.memref_squeeze %dma_start3A_98 : memref<1x128x128xf32, #tpu.memory_space<hbm>> -> memref<128x128xf32, #tpu.memory_space<hbm>>
    tpu.enqueue_dma source(%arg12 : memref<128x128xf32, #tpu.memory_space<vmem>>) target(%dma_start3A_99 : memref<128x128xf32, #tpu.memory_space<hbm>>) target_semaphore(%arg15 : memref<!tpu.dma_semaphore, #tpu.memory_space<semaphore_mem>>)
    tpu.wait_dma2 semaphore(%arg15 : memref<!tpu.dma_semaphore, #tpu.memory_space<semaphore_mem>>) src(%arg5 : memref<128x128xf32, #tpu.memory_space<hbm>>) dst(%arg12 : memref<128x128xf32, #tpu.memory_space<vmem>>)
    tpu.wait_dma2 semaphore(%arg14 : memref<!tpu.dma_semaphore, #tpu.memory_space<semaphore_mem>>) src(%arg5 : memref<128x128xf32, #tpu.memory_space<hbm>>) dst(%arg11 : memref<128x128xf32, #tpu.memory_space<vmem>>)
    %add3A_100 = arith.constant 512 : i32
    %add3A_101 = arith.addi %mul3A_2, %add3A_100 : i32
    %dma_start3A_102 = arith.constant 0 : i32
    %dma_start3A_103 = tpu.memref_slice %arg7[%arg0, %add3A_101, %dma_start3A_102] : memref<2x10240x128xf32, #tpu.memory_space<hbm>> -> memref<1x128x128xf32, #tpu.memory_space<hbm>>
    %dma_start3A_104 = tpu.memref_squeeze %dma_start3A_103 : memref<1x128x128xf32, #tpu.memory_space<hbm>> -> memref<128x128xf32, #tpu.memory_space<hbm>>
    %dma_start3A_105 = arith.constant 0 : i32
    %dma_start3A_106 = tpu.memref_slice %arg7[%arg0, %add3A_101, %dma_start3A_105] : memref<2x10240x128xf32, #tpu.memory_space<hbm>> -> memref<1x128x128xf32, #tpu.memory_space<hbm>>
    %dma_start3A_107 = tpu.memref_squeeze %dma_start3A_106 : memref<1x128x128xf32, #tpu.memory_space<hbm>> -> memref<128x128xf32, #tpu.memory_space<hbm>>
    tpu.enqueue_dma source(%arg11 : memref<128x128xf32, #tpu.memory_space<vmem>>) target(%dma_start3A_107 : memref<128x128xf32, #tpu.memory_space<hbm>>) target_semaphore(%arg14 : memref<!tpu.dma_semaphore, #tpu.memory_space<semaphore_mem>>)
    tpu.wait_dma2 semaphore(%arg14 : memref<!tpu.dma_semaphore, #tpu.memory_space<semaphore_mem>>) src(%arg5 : memref<128x128xf32, #tpu.memory_space<hbm>>) dst(%arg11 : memref<128x128xf32, #tpu.memory_space<vmem>>)
    "tpu.region"() ({
      %run_scoped3A = tpu.sem_alloc : memref<!tpu.dma_semaphore, #tpu.memory_space<semaphore_mem>>
      tpu.enqueue_dma source(%arg6 : memref<128x128xf32, #tpu.memory_space<hbm>>) target(%arg12 : memref<128x128xf32, #tpu.memory_space<vmem>>) target_semaphore(%run_scoped3A : memref<!tpu.dma_semaphore, #tpu.memory_space<semaphore_mem>>)
      tpu.wait_dma2 semaphore(%run_scoped3A : memref<!tpu.dma_semaphore, #tpu.memory_space<semaphore_mem>>) src(%arg6 : memref<128x128xf32, #tpu.memory_space<hbm>>) dst(%arg12 : memref<128x128xf32, #tpu.memory_space<vmem>>)
      tpu.yield
    }) : () -> ()
    %barrier3A_108 = arith.constant 0 : index
    tpu.barrier barrier_id(%barrier3A_108)
    %scan3A_109 = arith.constant 0 : i32
    %scan3A_110 = arith.constant 0 : i32
    %scan3A_111 = arith.constant 5 : i32
    %scan3A_112 = arith.addi %scan3A_110, %scan3A_111 : i32
    %scan3A_113 = arith.constant 1 : i32
    scf.for %scan3A_186 = %scan3A_110 to %scan3A_112 step %scan3A_113  : i32 {
      %mul3A_187 = arith.constant 80 : i32
      %mul3A_188 = arith.muli %add3A, %mul3A_187 : i32
      %mul3A_189 = arith.constant 16 : i32
      %mul3A_190 = arith.muli %scan3A_186, %mul3A_189 : i32
      %add3A_191 = arith.addi %mul3A_188, %mul3A_190 : i32
      "tpu.region"() ({
        %run_scoped3A = tpu.sem_alloc : memref<!tpu.dma_semaphore, #tpu.memory_space<semaphore_mem>>
        %dma_start3A_204 = arith.constant 0 : i32
        %dma_start3A_205 = tpu.memref_slice %arg4[%add3A_191, %dma_start3A_204] : memref<2560x128xi32, #tpu.memory_space<hbm>> -> memref<16x128xi32, #tpu.memory_space<hbm>>
        %dma_start3A_206 = arith.constant 0 : i32
        %dma_start3A_207 = tpu.memref_slice %arg4[%add3A_191, %dma_start3A_206] : memref<2560x128xi32, #tpu.memory_space<hbm>> -> memref<16x128xi32, #tpu.memory_space<hbm>>
        tpu.enqueue_dma source(%dma_start3A_207 : memref<16x128xi32, #tpu.memory_space<hbm>>) target(%arg10 : memref<16x128xi32, #tpu.memory_space<vmem>>) target_semaphore(%run_scoped3A : memref<!tpu.dma_semaphore, #tpu.memory_space<semaphore_mem>>)
        %dma_wait3A = arith.constant 0 : i32
        %dma_wait3A_208 = tpu.memref_slice %arg4[%add3A_191, %dma_wait3A] : memref<2560x128xi32, #tpu.memory_space<hbm>> -> memref<16x128xi32, #tpu.memory_space<hbm>>
        %dma_wait3A_209 = arith.constant 0 : i32
        %dma_wait3A_210 = tpu.memref_slice %arg4[%add3A_191, %dma_wait3A_209] : memref<2560x128xi32, #tpu.memory_space<hbm>> -> memref<16x128xi32, #tpu.memory_space<hbm>>
        tpu.wait_dma2 semaphore(%run_scoped3A : memref<!tpu.dma_semaphore, #tpu.memory_space<semaphore_mem>>) src(%dma_wait3A_210 : memref<16x128xi32, #tpu.memory_space<hbm>>) dst(%arg10 : memref<16x128xi32, #tpu.memory_space<vmem>>)
        tpu.yield
      }) : () -> ()
      %scan3A_192 = arith.constant 0 : i32
      %scan3A_193 = arith.constant 0 : i32
      %scan3A_194 = arith.constant 16 : i32
      %scan3A_195 = arith.addi %scan3A_193, %scan3A_194 : i32
      %scan3A_196 = arith.constant 1 : i32
      scf.for %scan3A_204 = %scan3A_193 to %scan3A_195 step %scan3A_196  : i32 {
        %dma_start3A_205 = arith.constant 0 : i32
        %dma_start3A_206 = tpu.memref_slice %arg10[%scan3A_204, %dma_start3A_205] : memref<16x128xi32, #tpu.memory_space<vmem>> -> memref<1x128xi32, #tpu.memory_space<vmem>>
        %dma_start3A_207 = tpu.memref_squeeze %dma_start3A_206 : memref<1x128xi32, #tpu.memory_space<vmem>> -> memref<128xi32, #tpu.memory_space<vmem>>
        %dma_start3A_208 = arith.constant 0 : i32
        %dma_start3A_209 = arith.constant 0 : i32
        %dma_start3A_210 = tpu.memref_slice %arg13[%dma_start3A_208, %dma_start3A_209] : memref<10240x128xf32, #tpu.memory_space<vmem_shared>> -> memref<10240x128xf32, #tpu.memory_space<vmem_shared>>
        tpu.enqueue_indirect_dma source(%arg12 : memref<128x128xf32, #tpu.memory_space<vmem>>) target(%dma_start3A_210 : memref<10240x128xf32, #tpu.memory_space<vmem_shared>>) offsets(%dma_start3A_207 : memref<128xi32, #tpu.memory_space<vmem>>) semaphore(%arg15 : memref<!tpu.dma_semaphore, #tpu.memory_space<semaphore_mem>>) {add = true}
      }
      %scan3A_197 = arith.constant 16 : i32
      %scan3A_198 = arith.constant 0 : i32
      %scan3A_199 = arith.constant 0 : i32
      %scan3A_200 = arith.constant 16 : i32
      %scan3A_201 = arith.addi %scan3A_199, %scan3A_200 : i32
      %scan3A_202 = arith.constant 1 : i32
      scf.for %scan3A_204 = %scan3A_199 to %scan3A_201 step %scan3A_202  : i32 {
        tpu.wait_dma2 semaphore(%arg15 : memref<!tpu.dma_semaphore, #tpu.memory_space<semaphore_mem>>) src(%arg5 : memref<128x128xf32, #tpu.memory_space<hbm>>) dst(%arg12 : memref<128x128xf32, #tpu.memory_space<vmem>>)
      }
      %scan3A_203 = arith.constant 16 : i32
    }
    %scan3A_114 = arith.constant 5 : i32
    %barrier3A_115 = arith.constant 0 : index
    tpu.barrier barrier_id(%barrier3A_115)
    %add3A_116 = arith.constant 0 : i32
    %add3A_117 = arith.addi %mul3A_2, %add3A_116 : i32
    %dma_start3A_118 = arith.constant 0 : i32
    %dma_start3A_119 = tpu.memref_slice %arg13[%add3A_117, %dma_start3A_118] : memref<10240x128xf32, #tpu.memory_space<vmem_shared>> -> memref<128x128xf32, #tpu.memory_space<vmem_shared>>
    %dma_start3A_120 = arith.constant 0 : i32
    %dma_start3A_121 = tpu.memref_slice %arg13[%add3A_117, %dma_start3A_120] : memref<10240x128xf32, #tpu.memory_space<vmem_shared>> -> memref<128x128xf32, #tpu.memory_space<vmem_shared>>
    tpu.enqueue_dma source(%dma_start3A_121 : memref<128x128xf32, #tpu.memory_space<vmem_shared>>) target(%arg11 : memref<128x128xf32, #tpu.memory_space<vmem>>) target_semaphore(%arg14 : memref<!tpu.dma_semaphore, #tpu.memory_space<semaphore_mem>>)
    %add3A_122 = arith.constant 128 : i32
    %add3A_123 = arith.addi %mul3A_2, %add3A_122 : i32
    %dma_start3A_124 = arith.constant 0 : i32
    %dma_start3A_125 = tpu.memref_slice %arg13[%add3A_123, %dma_start3A_124] : memref<10240x128xf32, #tpu.memory_space<vmem_shared>> -> memref<128x128xf32, #tpu.memory_space<vmem_shared>>
    %dma_start3A_126 = arith.constant 0 : i32
    %dma_start3A_127 = tpu.memref_slice %arg13[%add3A_123, %dma_start3A_126] : memref<10240x128xf32, #tpu.memory_space<vmem_shared>> -> memref<128x128xf32, #tpu.memory_space<vmem_shared>>
    tpu.enqueue_dma source(%dma_start3A_127 : memref<128x128xf32, #tpu.memory_space<vmem_shared>>) target(%arg12 : memref<128x128xf32, #tpu.memory_space<vmem>>) target_semaphore(%arg15 : memref<!tpu.dma_semaphore, #tpu.memory_space<semaphore_mem>>)
    tpu.wait_dma2 semaphore(%arg14 : memref<!tpu.dma_semaphore, #tpu.memory_space<semaphore_mem>>) src(%arg5 : memref<128x128xf32, #tpu.memory_space<hbm>>) dst(%arg11 : memref<128x128xf32, #tpu.memory_space<vmem>>)
    %add3A_128 = arith.constant 0 : i32
    %add3A_129 = arith.addi %mul3A_2, %add3A_128 : i32
    %dma_start3A_130 = arith.constant 0 : i32
    %dma_start3A_131 = tpu.memref_slice %arg8[%arg0, %add3A_129, %dma_start3A_130] : memref<2x10240x128xf32, #tpu.memory_space<hbm>> -> memref<1x128x128xf32, #tpu.memory_space<hbm>>
    %dma_start3A_132 = tpu.memref_squeeze %dma_start3A_131 : memref<1x128x128xf32, #tpu.memory_space<hbm>> -> memref<128x128xf32, #tpu.memory_space<hbm>>
    %dma_start3A_133 = arith.constant 0 : i32
    %dma_start3A_134 = tpu.memref_slice %arg8[%arg0, %add3A_129, %dma_start3A_133] : memref<2x10240x128xf32, #tpu.memory_space<hbm>> -> memref<1x128x128xf32, #tpu.memory_space<hbm>>
    %dma_start3A_135 = tpu.memref_squeeze %dma_start3A_134 : memref<1x128x128xf32, #tpu.memory_space<hbm>> -> memref<128x128xf32, #tpu.memory_space<hbm>>
    tpu.enqueue_dma source(%arg11 : memref<128x128xf32, #tpu.memory_space<vmem>>) target(%dma_start3A_135 : memref<128x128xf32, #tpu.memory_space<hbm>>) target_semaphore(%arg14 : memref<!tpu.dma_semaphore, #tpu.memory_space<semaphore_mem>>)
    tpu.wait_dma2 semaphore(%arg14 : memref<!tpu.dma_semaphore, #tpu.memory_space<semaphore_mem>>) src(%arg5 : memref<128x128xf32, #tpu.memory_space<hbm>>) dst(%arg11 : memref<128x128xf32, #tpu.memory_space<vmem>>)
    %add3A_136 = arith.constant 256 : i32
    %add3A_137 = arith.addi %mul3A_2, %add3A_136 : i32
    %dma_start3A_138 = arith.constant 0 : i32
    %dma_start3A_139 = tpu.memref_slice %arg13[%add3A_137, %dma_start3A_138] : memref<10240x128xf32, #tpu.memory_space<vmem_shared>> -> memref<128x128xf32, #tpu.memory_space<vmem_shared>>
    %dma_start3A_140 = arith.constant 0 : i32
    %dma_start3A_141 = tpu.memref_slice %arg13[%add3A_137, %dma_start3A_140] : memref<10240x128xf32, #tpu.memory_space<vmem_shared>> -> memref<128x128xf32, #tpu.memory_space<vmem_shared>>
    tpu.enqueue_dma source(%dma_start3A_141 : memref<128x128xf32, #tpu.memory_space<vmem_shared>>) target(%arg11 : memref<128x128xf32, #tpu.memory_space<vmem>>) target_semaphore(%arg14 : memref<!tpu.dma_semaphore, #tpu.memory_space<semaphore_mem>>)
    tpu.wait_dma2 semaphore(%arg15 : memref<!tpu.dma_semaphore, #tpu.memory_space<semaphore_mem>>) src(%arg5 : memref<128x128xf32, #tpu.memory_space<hbm>>) dst(%arg12 : memref<128x128xf32, #tpu.memory_space<vmem>>)
    %add3A_142 = arith.constant 128 : i32
    %add3A_143 = arith.addi %mul3A_2, %add3A_142 : i32
    %dma_start3A_144 = arith.constant 0 : i32
    %dma_start3A_145 = tpu.memref_slice %arg8[%arg0, %add3A_143, %dma_start3A_144] : memref<2x10240x128xf32, #tpu.memory_space<hbm>> -> memref<1x128x128xf32, #tpu.memory_space<hbm>>
    %dma_start3A_146 = tpu.memref_squeeze %dma_start3A_145 : memref<1x128x128xf32, #tpu.memory_space<hbm>> -> memref<128x128xf32, #tpu.memory_space<hbm>>
    %dma_start3A_147 = arith.constant 0 : i32
    %dma_start3A_148 = tpu.memref_slice %arg8[%arg0, %add3A_143, %dma_start3A_147] : memref<2x10240x128xf32, #tpu.memory_space<hbm>> -> memref<1x128x128xf32, #tpu.memory_space<hbm>>
    %dma_start3A_149 = tpu.memref_squeeze %dma_start3A_148 : memref<1x128x128xf32, #tpu.memory_space<hbm>> -> memref<128x128xf32, #tpu.memory_space<hbm>>
    tpu.enqueue_dma source(%arg12 : memref<128x128xf32, #tpu.memory_space<vmem>>) target(%dma_start3A_149 : memref<128x128xf32, #tpu.memory_space<hbm>>) target_semaphore(%arg15 : memref<!tpu.dma_semaphore, #tpu.memory_space<semaphore_mem>>)
    tpu.wait_dma2 semaphore(%arg15 : memref<!tpu.dma_semaphore, #tpu.memory_space<semaphore_mem>>) src(%arg5 : memref<128x128xf32, #tpu.memory_space<hbm>>) dst(%arg12 : memref<128x128xf32, #tpu.memory_space<vmem>>)
    %add3A_150 = arith.constant 384 : i32
    %add3A_151 = arith.addi %mul3A_2, %add3A_150 : i32
    %dma_start3A_152 = arith.constant 0 : i32
    %dma_start3A_153 = tpu.memref_slice %arg13[%add3A_151, %dma_start3A_152] : memref<10240x128xf32, #tpu.memory_space<vmem_shared>> -> memref<128x128xf32, #tpu.memory_space<vmem_shared>>
    %dma_start3A_154 = arith.constant 0 : i32
    %dma_start3A_155 = tpu.memref_slice %arg13[%add3A_151, %dma_start3A_154] : memref<10240x128xf32, #tpu.memory_space<vmem_shared>> -> memref<128x128xf32, #tpu.memory_space<vmem_shared>>
    tpu.enqueue_dma source(%dma_start3A_155 : memref<128x128xf32, #tpu.memory_space<vmem_shared>>) target(%arg12 : memref<128x128xf32, #tpu.memory_space<vmem>>) target_semaphore(%arg15 : memref<!tpu.dma_semaphore, #tpu.memory_space<semaphore_mem>>)
    tpu.wait_dma2 semaphore(%arg14 : memref<!tpu.dma_semaphore, #tpu.memory_space<semaphore_mem>>) src(%arg5 : memref<128x128xf32, #tpu.memory_space<hbm>>) dst(%arg11 : memref<128x128xf32, #tpu.memory_space<vmem>>)
    %add3A_156 = arith.constant 256 : i32
    %add3A_157 = arith.addi %mul3A_2, %add3A_156 : i32
    %dma_start3A_158 = arith.constant 0 : i32
    %dma_start3A_159 = tpu.memref_slice %arg8[%arg0, %add3A_157, %dma_start3A_158] : memref<2x10240x128xf32, #tpu.memory_space<hbm>> -> memref<1x128x128xf32, #tpu.memory_space<hbm>>
    %dma_start3A_160 = tpu.memref_squeeze %dma_start3A_159 : memref<1x128x128xf32, #tpu.memory_space<hbm>> -> memref<128x128xf32, #tpu.memory_space<hbm>>
    %dma_start3A_161 = arith.constant 0 : i32
    %dma_start3A_162 = tpu.memref_slice %arg8[%arg0, %add3A_157, %dma_start3A_161] : memref<2x10240x128xf32, #tpu.memory_space<hbm>> -> memref<1x128x128xf32, #tpu.memory_space<hbm>>
    %dma_start3A_163 = tpu.memref_squeeze %dma_start3A_162 : memref<1x128x128xf32, #tpu.memory_space<hbm>> -> memref<128x128xf32, #tpu.memory_space<hbm>>
    tpu.enqueue_dma source(%arg11 : memref<128x128xf32, #tpu.memory_space<vmem>>) target(%dma_start3A_163 : memref<128x128xf32, #tpu.memory_space<hbm>>) target_semaphore(%arg14 : memref<!tpu.dma_semaphore, #tpu.memory_space<semaphore_mem>>)
    tpu.wait_dma2 semaphore(%arg14 : memref<!tpu.dma_semaphore, #tpu.memory_space<semaphore_mem>>) src(%arg5 : memref<128x128xf32, #tpu.memory_space<hbm>>) dst(%arg11 : memref<128x128xf32, #tpu.memory_space<vmem>>)
    %add3A_164 = arith.constant 512 : i32
    %add3A_165 = arith.addi %mul3A_2, %add3A_164 : i32
    %dma_start3A_166 = arith.constant 0 : i32
    %dma_start3A_167 = tpu.memref_slice %arg13[%add3A_165, %dma_start3A_166] : memref<10240x128xf32, #tpu.memory_space<vmem_shared>> -> memref<128x128xf32, #tpu.memory_space<vmem_shared>>
    %dma_start3A_168 = arith.constant 0 : i32
    %dma_start3A_169 = tpu.memref_slice %arg13[%add3A_165, %dma_start3A_168] : memref<10240x128xf32, #tpu.memory_space<vmem_shared>> -> memref<128x128xf32, #tpu.memory_space<vmem_shared>>
    tpu.enqueue_dma source(%dma_start3A_169 : memref<128x128xf32, #tpu.memory_space<vmem_shared>>) target(%arg11 : memref<128x128xf32, #tpu.memory_space<vmem>>) target_semaphore(%arg14 : memref<!tpu.dma_semaphore, #tpu.memory_space<semaphore_mem>>)
    tpu.wait_dma2 semaphore(%arg15 : memref<!tpu.dma_semaphore, #tpu.memory_space<semaphore_mem>>) src(%arg5 : memref<128x128xf32, #tpu.memory_space<hbm>>) dst(%arg12 : memref<128x128xf32, #tpu.memory_space<vmem>>)
    %add3A_170 = arith.constant 384 : i32
    %add3A_171 = arith.addi %mul3A_2, %add3A_170 : i32
    %dma_start3A_172 = arith.constant 0 : i32
    %dma_start3A_173 = tpu.memref_slice %arg8[%arg0, %add3A_171, %dma_start3A_172] : memref<2x10240x128xf32, #tpu.memory_space<hbm>> -> memref<1x128x128xf32, #tpu.memory_space<hbm>>
    %dma_start3A_174 = tpu.memref_squeeze %dma_start3A_173 : memref<1x128x128xf32, #tpu.memory_space<hbm>> -> memref<128x128xf32, #tpu.memory_space<hbm>>
    %dma_start3A_175 = arith.constant 0 : i32
    %dma_start3A_176 = tpu.memref_slice %arg8[%arg0, %add3A_171, %dma_start3A_175] : memref<2x10240x128xf32, #tpu.memory_space<hbm>> -> memref<1x128x128xf32, #tpu.memory_space<hbm>>
    %dma_start3A_177 = tpu.memref_squeeze %dma_start3A_176 : memref<1x128x128xf32, #tpu.memory_space<hbm>> -> memref<128x128xf32, #tpu.memory_space<hbm>>
    tpu.enqueue_dma source(%arg12 : memref<128x128xf32, #tpu.memory_space<vmem>>) target(%dma_start3A_177 : memref<128x128xf32, #tpu.memory_space<hbm>>) target_semaphore(%arg15 : memref<!tpu.dma_semaphore, #tpu.memory_space<semaphore_mem>>)
    tpu.wait_dma2 semaphore(%arg15 : memref<!tpu.dma_semaphore, #tpu.memory_space<semaphore_mem>>) src(%arg5 : memref<128x128xf32, #tpu.memory_space<hbm>>) dst(%arg12 : memref<128x128xf32, #tpu.memory_space<vmem>>)
    tpu.wait_dma2 semaphore(%arg14 : memref<!tpu.dma_semaphore, #tpu.memory_space<semaphore_mem>>) src(%arg5 : memref<128x128xf32, #tpu.memory_space<hbm>>) dst(%arg11 : memref<128x128xf32, #tpu.memory_space<vmem>>)
    %add3A_178 = arith.constant 512 : i32
    %add3A_179 = arith.addi %mul3A_2, %add3A_178 : i32
    %dma_start3A_180 = arith.constant 0 : i32
    %dma_start3A_181 = tpu.memref_slice %arg8[%arg0, %add3A_179, %dma_start3A_180] : memref<2x10240x128xf32, #tpu.memory_space<hbm>> -> memref<1x128x128xf32, #tpu.memory_space<hbm>>
    %dma_start3A_182 = tpu.memref_squeeze %dma_start3A_181 : memref<1x128x128xf32, #tpu.memory_space<hbm>> -> memref<128x128xf32, #tpu.memory_space<hbm>>
    %dma_start3A_183 = arith.constant 0 : i32
    %dma_start3A_184 = tpu.memref_slice %arg8[%arg0, %add3A_179, %dma_start3A_183] : memref<2x10240x128xf32, #tpu.memory_space<hbm>> -> memref<1x128x128xf32, #tpu.memory_space<hbm>>
    %dma_start3A_185 = tpu.memref_squeeze %dma_start3A_184 : memref<1x128x128xf32, #tpu.memory_space<hbm>> -> memref<128x128xf32, #tpu.memory_space<hbm>>
    tpu.enqueue_dma source(%arg11 : memref<128x128xf32, #tpu.memory_space<vmem>>) target(%dma_start3A_185 : memref<128x128xf32, #tpu.memory_space<hbm>>) target_semaphore(%arg14 : memref<!tpu.dma_semaphore, #tpu.memory_space<semaphore_mem>>)
    tpu.wait_dma2 semaphore(%arg14 : memref<!tpu.dma_semaphore, #tpu.memory_space<semaphore_mem>>) src(%arg5 : memref<128x128xf32, #tpu.memory_space<hbm>>) dst(%arg11 : memref<128x128xf32, #tpu.memory_space<vmem>>)
    return
  }
}

module attributes {stable_mosaic.version = 14 : i64} {
  func.func @_tc_body(%arg0: i32, %arg1: memref<1000x128xf32, #tpu.memory_space<vmem>>, %arg2: memref<1x1000x128xf32, #tpu.memory_space<vmem>>, %arg3: memref<1x1000x128xf32, #tpu.memory_space<vmem>>, %arg4: memref<1x1000x128xf32, #tpu.memory_space<vmem>>, %arg5: memref<1x1000x128xf32, #tpu.memory_space<vmem>>, %arg6: memref<128x128xf32, #tpu.memory_space<vmem>>, %arg7: memref<1x128xf32, #tpu.memory_space<vmem>>, %arg8: memref<1000x128xf32, #tpu.memory_space<vmem>>) attributes {dimension_semantics = [#tpu.dimension_semantics<arbitrary>], iteration_bounds = array<i64: 10>, scalar_prefetch = 0 : i64, scratch_operands = 0 : i64, tpu.core_type = #tpu.core_type<tc>, window_params = [{transform_indices = @transform_0, window_bounds = array<i64: 1000, 128>}, {transform_indices = @transform_1, window_bounds = array<i64: 1, 1000, 128>}, {transform_indices = @transform_2, window_bounds = array<i64: 1, 1000, 128>}, {transform_indices = @transform_3, window_bounds = array<i64: 1, 1000, 128>}, {transform_indices = @transform_4, window_bounds = array<i64: 1, 1000, 128>}, {pipeline_mode = #tpu.pipeline_mode<synchronous>, transform_indices = @transform_5, window_bounds = array<i64: 128, 128>}, {pipeline_mode = #tpu.pipeline_mode<synchronous>, transform_indices = @transform_6, window_bounds = array<i64: 1, 128>}, {transform_indices = @transform_7, window_bounds = array<i64: 1000, 128>}]} {
    %get3A = arith.constant 0 : index
    %get3A_0 = arith.constant 0 : index
    %get3A_1 = arith.constant 0 : index
    %get3A_2 = vector.load %arg2[%get3A, %get3A_0, %get3A_1] : memref<1x1000x128xf32, #tpu.memory_space<vmem>>, vector<1x1000x128xf32>
    %get3A_3 = vector.shape_cast %get3A_2 : vector<1x1000x128xf32> to vector<1000x128xf32>
    %get3A_4 = arith.constant 0 : index
    %get3A_5 = arith.constant 0 : index
    %get3A_6 = arith.constant 0 : index
    %get3A_7 = vector.load %arg3[%get3A_4, %get3A_5, %get3A_6] : memref<1x1000x128xf32, #tpu.memory_space<vmem>>, vector<1x1000x128xf32>
    %get3A_8 = vector.shape_cast %get3A_7 : vector<1x1000x128xf32> to vector<1000x128xf32>
    %add3A = arith.addf %get3A_3, %get3A_8 : vector<1000x128xf32>
    %get3A_9 = arith.constant 0 : index
    %get3A_10 = arith.constant 0 : index
    %get3A_11 = arith.constant 0 : index
    %get3A_12 = vector.load %arg4[%get3A_9, %get3A_10, %get3A_11] : memref<1x1000x128xf32, #tpu.memory_space<vmem>>, vector<1x1000x128xf32>
    %get3A_13 = vector.shape_cast %get3A_12 : vector<1x1000x128xf32> to vector<1000x128xf32>
    %slice3A = vector.extract_strided_slice %get3A_13 {offsets = [0, 0], sizes = [1000, 1], strides = [1, 1]} : vector<1000x128xf32> to vector<1000x1xf32>
    %get3A_14 = arith.constant 0 : index
    %get3A_15 = arith.constant 0 : index
    %get3A_16 = arith.constant 0 : index
    %get3A_17 = vector.load %arg5[%get3A_14, %get3A_15, %get3A_16] : memref<1x1000x128xf32, #tpu.memory_space<vmem>>, vector<1x1000x128xf32>
    %get3A_18 = vector.shape_cast %get3A_17 : vector<1x1000x128xf32> to vector<1000x128xf32>
    %slice3A_19 = vector.extract_strided_slice %get3A_18 {offsets = [0, 0], sizes = [1000, 1], strides = [1, 1]} : vector<1000x128xf32> to vector<1000x1xf32>
    %add3A_20 = arith.addf %slice3A, %slice3A_19 : vector<1000x1xf32>
    %get3A_21 = arith.constant 0 : index
    %get3A_22 = arith.constant 0 : index
    %get3A_23 = arith.constant 0 : index
    %get3A_24 = vector.load %arg2[%get3A_21, %get3A_22, %get3A_23] : memref<1x1000x128xf32, #tpu.memory_space<vmem>>, vector<1x1000x128xf32>
    %get3A_25 = vector.shape_cast %get3A_24 : vector<1x1000x128xf32> to vector<1000x128xf32>
    %slice3A_26 = vector.extract_strided_slice %get3A_25 {offsets = [0, 0], sizes = [1000, 1], strides = [1, 1]} : vector<1000x128xf32> to vector<1000x1xf32>
    %get3A_27 = arith.constant 0 : index
    %get3A_28 = arith.constant 0 : index
    %get3A_29 = arith.constant 0 : index
    %get3A_30 = vector.load %arg3[%get3A_27, %get3A_28, %get3A_29] : memref<1x1000x128xf32, #tpu.memory_space<vmem>>, vector<1x1000x128xf32>
    %get3A_31 = vector.shape_cast %get3A_30 : vector<1x1000x128xf32> to vector<1000x128xf32>
    %slice3A_32 = vector.extract_strided_slice %get3A_31 {offsets = [0, 0], sizes = [1000, 1], strides = [1, 1]} : vector<1000x128xf32> to vector<1000x1xf32>
    %add3A_33 = arith.addf %slice3A_26, %slice3A_32 : vector<1000x1xf32>
    %sub3A = arith.subf %add3A_20, %add3A_33 : vector<1000x1xf32>
    %max3A = arith.constant 1.000000e+00 : f32
    %max3A_34 = vector.broadcast %max3A : f32 to vector<1000x1xf32>
    %max3A_35 = arith.maximumf %sub3A, %max3A_34 : vector<1000x1xf32>
    %div3A = vector.broadcast %max3A_35 : vector<1000x1xf32> to vector<1000x128xf32>
    %div3A_36 = arith.divf %add3A, %div3A : vector<1000x128xf32>
    %gt3A = arith.constant 0.000000e+00 : f32
    %gt3A_37 = vector.broadcast %gt3A : f32 to vector<1000x1xf32>
    %gt3A_38 = arith.cmpf ogt, %sub3A, %gt3A_37 : vector<1000x1xf32>
    %get3A_39 = arith.constant 0 : index
    %get3A_40 = arith.constant 0 : index
    %get3A_41 = vector.load %arg1[%get3A_39, %get3A_40] : memref<1000x128xf32, #tpu.memory_space<vmem>>, vector<1000x128xf32>
    %broadcast_in_dim3A = vector.shape_cast %gt3A_38 : vector<1000x1xi1> to vector<1000x1xi1>
    %broadcast_in_dim3A_42 = vector.broadcast %broadcast_in_dim3A : vector<1000x1xi1> to vector<1000x128xi1>
    %select_n3A = arith.select %broadcast_in_dim3A_42, %div3A_36, %get3A_41 : vector<1000x128xi1>, vector<1000x128xf32>
    %get3A_43 = arith.constant 0 : index
    %get3A_44 = arith.constant 0 : index
    %get3A_45 = vector.load %arg6[%get3A_43, %get3A_44] : memref<128x128xf32, #tpu.memory_space<vmem>>, vector<128x128xf32>
    %dot_general3A = arith.constant dense<0.000000e+00> : vector<1000x128xf32>
    %dot_general3A_46 = tpu.matmul %select_n3A, %get3A_45, %dot_general3A {dimension_numbers = #tpu.dot_dimension_numbers<[1], [1], [0], [0], [0, 0, 1, 0], [], []>, transpose_lhs_hint = false} : vector<1000x128xf32>, vector<128x128xf32>, vector<1000x128xf32> -> vector<1000x128xf32>
    %get3A_47 = arith.constant 0 : index
    %get3A_48 = arith.constant 0 : index
    %get3A_49 = vector.load %arg7[%get3A_47, %get3A_48] : memref<1x128xf32, #tpu.memory_space<vmem>>, vector<1x128xf32>
    %add3A_50 = vector.broadcast %get3A_49 : vector<1x128xf32> to vector<1000x128xf32>
    %add3A_51 = arith.addf %dot_general3A_46, %add3A_50 : vector<1000x128xf32>
    %max3A_52 = arith.constant 0.000000e+00 : f32
    %max3A_53 = vector.broadcast %max3A_52 : f32 to vector<1000x128xf32>
    %max3A_54 = arith.maximumf %add3A_51, %max3A_53 : vector<1000x128xf32>
    %swap3A = arith.constant 0 : index
    %swap3A_55 = arith.constant 0 : index
    %swap3A_56 = vector.load %arg8[%swap3A, %swap3A_55] : memref<1000x128xf32, #tpu.memory_space<vmem>>, vector<1000x128xf32>
    tpu.vector_store %arg8[%swap3A, %swap3A_55], %max3A_54 {strides = array<i32>} : memref<1000x128xf32, #tpu.memory_space<vmem>>, vector<1000x128xf32>,
    return
  }
  func.func @transform_0(%arg0: i32) -> (i32, i32) {
    %c0_i32 = arith.constant 0 : i32
    %c0_i32_0 = arith.constant 0 : i32
    return %arg0, %c0_i32 : i32, i32
  }
  func.func @transform_1(%arg0: i32) -> (i32, i32, i32) {
    %c0_i32 = arith.constant 0 : i32
    %c0_i32_0 = arith.constant 0 : i32
    %c0_i32_1 = arith.constant 0 : i32
    return %c0_i32, %arg0, %c0_i32_0 : i32, i32, i32
  }
  func.func @transform_2(%arg0: i32) -> (i32, i32, i32) {
    %c1_i32 = arith.constant 1 : i32
    %c0_i32 = arith.constant 0 : i32
    %c0_i32_0 = arith.constant 0 : i32
    return %c1_i32, %arg0, %c0_i32 : i32, i32, i32
  }
  func.func @transform_3(%arg0: i32) -> (i32, i32, i32) {
    %c0_i32 = arith.constant 0 : i32
    %c0_i32_0 = arith.constant 0 : i32
    %c0_i32_1 = arith.constant 0 : i32
    return %c0_i32, %arg0, %c0_i32_0 : i32, i32, i32
  }
  func.func @transform_4(%arg0: i32) -> (i32, i32, i32) {
    %c1_i32 = arith.constant 1 : i32
    %c0_i32 = arith.constant 0 : i32
    %c0_i32_0 = arith.constant 0 : i32
    return %c1_i32, %arg0, %c0_i32 : i32, i32, i32
  }
  func.func @transform_5(%arg0: i32) -> (i32, i32) {
    %c0_i32 = arith.constant 0 : i32
    %c0_i32_0 = arith.constant 0 : i32
    %c0_i32_1 = arith.constant 0 : i32
    return %c0_i32, %c0_i32_0 : i32, i32
  }
  func.func @transform_6(%arg0: i32) -> (i32, i32) {
    %c0_i32 = arith.constant 0 : i32
    %c0_i32_0 = arith.constant 0 : i32
    %c0_i32_1 = arith.constant 0 : i32
    return %c0_i32, %c0_i32_0 : i32, i32
  }
  func.func @transform_7(%arg0: i32) -> (i32, i32) {
    %c0_i32 = arith.constant 0 : i32
    %c0_i32_0 = arith.constant 0 : i32
    return %arg0, %c0_i32 : i32, i32
  }
}

</mosaic_0001>

<sc_bundles>
// kernel: kernel.4.cloned.1.call-start
scs
__scs_entry_jumppad:
0x0: {  	(pc) =	sbr.rel $0x88, $3  }
0x1: {  	(tag) =	ssettag $0x0;
	lr =	simm.s32 $0x1  }
0x2: {  	[smem:$0x3F9D] =	sst lr;
	_ =	strace $0xD0000000  }
0x3: {  	_ = 	snop  }
0x4: {  	_ = 	snop  }
0x5: {  	_ = 	snop  }
0x6: {  	_ = 	snop  }
0x7: {  	_ = 	snop  }
__scs_overlays_trampoline_lowered:
0x8: {  	[smem:$0x3FAC] =	sst s0  }
0x9: {  	[smem:$0x3FAD] =	sst s1  }
0xa: {  	[smem:$0x3FAE] =	sst s2  }
0xb: {  	[smem:$0x3FAF] =	sst s3  }
0xc: {  	[smem:$0x3FB0] =	sst s4  }
0xd: {  	[smem:$0x3FB1] =	sst s5  }
0xe: {  	[smem:$0x3FB2] =	sst s6  }
0xf: {  	[smem:$0x3FB3] =	sst s7  }
0x10: {  	[smem:$0x3FB4] =	sst s8  }
0x11: {  	[smem:$0x3FB5] =	sst s9;
	s0 =	simm.s32 @!p0 $0x0  }
0x12: {  	s1 =	sld [smem:$0x3F9B];
	s0 =	simm.s32 @p0 $0x1  }
0x13: {  	[smem:$0x3FB6] =	sst s0;
	s0 =	simm.s32 @!p1 $0x0  }
0x14: {  	s2 =	sld [smem:$0x3F9A];
	s0 =	simm.s32 @p1 $0x1  }
0x15: {  	[smem:$0x3FB7] =	sst s0;
	s0 =	simm.s32 @!p2 $0x0  }
0x16: {  	s3 =	sld [smem:$0x3FDB];
	s0 =	simm.s32 @p2 $0x1  }
0x17: {  	s4 =	simm.s32 $0x1BF5;
	[smem:$0x3FB9] =	sst s0  }
0x18: {  	s0 =	sld [smem:$0x3F9C];
	_ =	swait.ge [sflag:s4], $0x0  }
0x19: {  	s7 =	sld [smem:$0x3F9D]  }
0x1a: {  	s8 =	sadd.s32 $0xFFFFE003, lr  }
0x1b: {  	s9 =	sadd.s32 $0xFFFFFEF7, lr;
	s5 =	simm.s32 $0xFFFFFFFF;
	p2 =	slt.u32 s8, $0xFFFFF086  }
0x1c: {  	p1 =	slt.u32 s9, $0xF7A;
	s5 =	simm.s32 @!p2 $0x0  }
0x1d: {  	s5 =	simm.s32 @p1 $0x1;
	p0 =	seq.s32 s7, s2  }
0x1e: {  	s7 =	smul.u32 @!p0 $0xF7A, s2;
	p2 =	seq.s32 @!p0 s5, $0x0  }
0x1f: {  	s9 =	smul.u32 $0xF7A, s1;
	s8 =	simm.s32 @!p0 $0x1BF5;
	p2 =	por !p2, p0  }
0x20: {  	[sflag:s8] =	ssyncset.s32 @!p0 $0xFFFFF086;
	s6 =	sadd.s32 @!p0 s3, s7;
	s7 =	simm.s32 @!p0 $0x108  }
0x21: {  	s3 =	sadd.s32 s3, s9;
	s6 =	sadd.s32 @!p0 $0x88, s6;
	s7 =	simm.s32 @p2 $0x1082  }
0x22: {  	[simem:s7], [sflag:s8] =	dma.local @!p0 [hbm:s6], $0xF7A  }
0x23: {  	s9 =	sor.u32 $0xD0000000, s2;
	s6 =	simm.s32 $0x108;
	_ =	swait.ge @!p0 [sflag:s8], $0x0  }
0x24: {  	s3 =	sadd.s32 $0x88, s3;
	s6 =	simm.s32 @!p1 $0x1082;
	[sflag:s4] =	ssyncset.s32 $0xFFFFF086  }
0x25: {  	[simem:s6], [sflag:s4] =	dma.local [hbm:s3], $0xF7A  }
0x26: {  	[smem:$0x3F9D] =	sst s1;
	(tag) =	ssettag s2;
	_ =	strace s9  }
0x27: {  	s1 =	sld [smem:$0x3FAD]  }
0x28: {  	s2 =	sld [smem:$0x3FAE]  }
0x29: {  	s4 =	sld [smem:$0x3FB0]  }
0x2a: {  	p0 =	seq.s32 s5, $0x0;
	s5 =	sld [smem:$0x3FB1]  }
0x2b: {  	s6 =	sld [smem:$0x3FB2]  }
0x2c: {  	s7 =	sld [smem:$0x3FB3]  }
0x2d: {  	s3 =	simm.s32 $0x108;
	s8 =	sld [smem:$0x3FB4]  }
0x2e: {  	s3 =	simm.s32 @!p0 $0x1082;
	s9 =	sld [smem:$0x3FB5]  }
0x2f: {  	lr =	sadd.s32 s0, s3;
	s0 =	sld [smem:$0x3FAC]  }
0x30: {  	s3 =	sld [smem:$0x3FAF]  }
0x31: {  	[smem:$0x3FB8] =	sst s10  }
0x32: {  	s10 =	sld [smem:$0x3FB6];
	_ =	sdelay $0x3  }
0x33: {  	p0 =	seq.s32 s10, $0x1;
	s10 =	sld [smem:$0x3FB8];
	_ =	sdelay $0x3  }
0x34: {  	[smem:$0x3FB8] =	sst s10  }
0x35: {  	s10 =	sld [smem:$0x3FB7];
	_ =	sdelay $0x3  }
0x36: {  	p1 =	seq.s32 s10, $0x1;
	s10 =	sld [smem:$0x3FB8];
	_ =	sdelay $0x3  }
0x37: {  	[smem:$0x3FB8] =	sst s10  }
0x38: {  	s10 =	sld [smem:$0x3FB9]  }
0x39: {  	_ = 	snop;
	(pc) =	sbr.ind lr, $3  }
0x3a: {  	_ = 	snop  }
0x3b: {  	_ = 	snop  }
0x3c: {  	p2 =	seq.s32 s10, $0x1;
	s10 =	sld [smem:$0x3FB8]  }
0x3d: {  	_ =	shalt  }
0x3e: {  	_ =	shalt  }
0x3f: {  	_ =	shalt  }
0x40: {  	_ =	shalt  }
0x41: {  	_ =	shalt  }
0x42: {  	_ =	shalt  }
0x43: {  	_ =	shalt  }
0x44: {  	_ =	shalt  }
0x45: {  	_ =	shalt  }
0x46: {  	_ =	shalt  }
0x47: {  	_ =	shalt  }
0x48: {  	_ =	shalt  }
0x49: {  	_ =	shalt  }
0x4a: {  	_ =	shalt  }
0x4b: {  	_ =	shalt  }
0x4c: {  	_ =	shalt  }
0x4d: {  	_ =	shalt  }
0x4e: {  	_ =	shalt  }
0x4f: {  	_ =	shalt  }
0x50: {  	_ =	shalt  }
0x51: {  	_ =	shalt  }
0x52: {  	_ =	shalt  }
0x53: {  	_ =	shalt  }
0x54: {  	_ =	shalt  }
0x55: {  	_ =	shalt  }
0x56: {  	_ =	shalt  }
0x57: {  	_ =	shalt  }
0x58: {  	_ =	shalt  }
0x59: {  	_ =	shalt  }
0x5a: {  	_ =	shalt  }
0x5b: {  	_ =	shalt  }
0x5c: {  	_ =	shalt  }
0x5d: {  	_ =	shalt  }
0x5e: {  	_ =	shalt  }
0x5f: {  	_ =	shalt  }
0x60: {  	_ =	shalt  }
0x61: {  	_ =	shalt  }
0x62: {  	_ =	shalt  }
0x63: {  	_ =	shalt  }
0x64: {  	_ =	shalt  }
0x65: {  	_ =	shalt  }
0x66: {  	_ =	shalt  }
0x67: {  	_ =	shalt  }
0x68: {  	_ =	shalt  }
0x69: {  	_ =	shalt  }
0x6a: {  	_ =	shalt  }
0x6b: {  	_ =	shalt  }
0x6c: {  	_ =	shalt  }
0x6d: {  	_ =	shalt  }
0x6e: {  	_ =	shalt  }
0x6f: {  	_ =	shalt  }
0x70: {  	_ =	shalt  }
0x71: {  	_ =	shalt  }
0x72: {  	_ =	shalt  }
0x73: {  	_ =	shalt  }
0x74: {  	_ =	shalt  }
0x75: {  	_ =	shalt  }
0x76: {  	_ =	shalt  }
0x77: {  	_ =	shalt  }
0x78: {  	_ =	shalt  }
0x79: {  	_ =	shalt  }
0x7a: {  	_ =	shalt  }
0x7b: {  	_ =	shalt  }
0x7c: {  	_ =	shalt  }
0x7d: {  	_ =	shalt  }
0x7e: {  	_ =	shalt  }
0x7f: {  	_ =	shalt  }
0x80: {  	_ =	shalt  }
0x81: {  	_ =	shalt  }
0x82: {  	_ =	shalt  }
0x83: {  	_ =	shalt  }
0x84: {  	_ =	shalt  }
0x85: {  	_ =	shalt  }
0x86: {  	_ =	shalt  }
0x87: {  	_ =	shalt  }
.Lfunc_end0:
.L_simem_size_0:
called_computation_lowered:
.L_overlay_start_0:
0x88: {  	s2 =	sld [smem:$0x3FD9]  }
0x89: {  	s3 =	sld [smem:$0x3FFE];
	_ =	sdelay $0x1  }
0x8a: {  	s1 =	srdreg.scid  }
0x8b: {  	s0 =	sand.u32 $0x1, s1  }
0x8c: {  	s17 =	sshll.u32 s0, $0xA;
	s2 =	sadd.s32 s3, s2  }
0x8d: {  	s2 =	sadd.s32 s2, s17  }
0x8e: {  	[smem:$0x3FC4] =	sst s2  }
0x8f: {  	_ = 	snop  }
0x90: {  	s2 =	sld [smem:$0x3FC9]  }
0x91: {  	s18 =	sld [smem:$0x3FD0];
	(tm) =	ssettm $0x1  }
0x92: {  	s4 =	sld [smem:$0x3FFB];
	_ =	sdelay $0x3  }
0x93: {  	_ =	strace s4  }
0x94: {  	s4 =	sld [smem:$0x3FFC];
	_ =	sdelay $0x3  }
0x95: {  	_ =	strace s4  }
0x96: {  	s4 =	sld [smem:$0x3FFD];
	_ =	sdelay $0x3  }
0x97: {  	_ =	strace s4  }
0x98: {  	_ =	strace $0x8FFFFFFF  }
0x99: {  	s19 =	sld [smem:$0x3FDB];
	_ =	sdelay $0x1  }
0x9a: {  	s5 =	simm.s32 $_scs_section_size  }
0x9b: {  	s6 =	simm.s32 $_size__tile_overlayer_lowered;
	s7 =	simm.s32 $_tile_overlayer_lowered  }
0x9c: {  	s22 =	simm.s32 $0x1BFF;
	s21 =	sshll.u32 s7, $0x1;
	s4 =	sadd.s32 s5, s19  }
0x9d: {  	s8 =	simm.s32 $0x0;
	s20 =	sshll.u32 s6, $0x1;
	s6 =	sadd.s32 s21, s4  }
0x9e: {  	[timem:s8], [sflag:s22] =	dma.local [hbm:s6], s20  }
0x9f: {  	_ =	swait.ge [sflag:s22], s20  }
0xa0: {  	s5 =	ssub.s32 $0x0, s20;
	[sflag:s22] =	ssyncset.done $0x0  }
0xa1: {  	[sflag:s22] =	ssyncadd.s32 s5;
	_ =	sdelay $0x1  }
0xa2: {  	s23 =	simm.s32 $0x1B8B  }
0xa3: {  	_ =	swait.ge [sflag:s23], $0x1  }
0xa4: {  	[sflag:s23] =	ssyncset.done $0x0  }
0xa5: {  	s25 =	simm.s32 $0x1B8E;
	s24 =	sld [smem:$0x3FFE];
	[sflag:s23] =	ssyncadd.s32 $0xFFFFFFFF  }
0xa6: {  	s26 =	simm.s32 $execute0_lowered;
	[smem:$0x3FD2] =	sst s25  }
0xa7: {  	s6 =	sshll.u32 s26, $0x1;
	_ =	strace $0x80000046;
	[dreg:$0x1] =	wrdreg $0xFFFFFFFF  }
0xa8: {  	s28 =	simm.s32 $_size_execute0_lowered;
	s4 =	sadd.s32 s4, s6;
	[dreg:$0x0] =	wrdreg $0x0  }
0xa9: {  	s6 =	sshll.u32 s28, $0x1;
	[dreg:$0x2] =	wrdreg s4  }
0xaa: {  	[dreg:$0x3] =	wrdreg s6  }
0xab: {  	[dreg:$0x4] =	wrdreg $0xC0  }
0xac: {  	_ =	task [dreg:s8], $0x5FFFF  }
0xad: {  	[dreg:$0x1] =	wrdreg $0xFFFFFFFF  }
0xae: {  	[dreg:$0x0] =	wrdreg $0x60  }
0xaf: {  	[dreg:$0x2] =	wrdreg s2  }
0xb0: {  	[dreg:$0x3] =	wrdreg s18  }
0xb1: {  	[dreg:$0x4] =	wrdreg s24  }
0xb2: {  	[dreg:$0x5] =	wrdreg $0x90000  }
0xb3: {  	[dreg:$0x6] =	wrdreg $0x9  }
0xb4: {  	_ =	task.clear_ibuf [dreg:s8], $0x7FFFF;
	_ =	strace $0x90000046  }
0xb5: {  	s29 =	simm.s32 $0x9;
	_ =	strace $0x80000048  }
0xb6: {  	_ =	swait.ge [sflag:s29], $0x1  }
0xb7: {  	[sflag:s29] =	ssyncadd.s32 $0xFFFFFFFF  }
0xb8: {  	_ =	strace $0x90000048  }
0xb9: {  	_ =	sfence  }
0xba: {  	s30 =	sld [smem:$0x0];
	_ =	sdelay $0x2  }
0xbb: {  	s31 =	sshll.u32 s1, $0xD;
	s1 =	sshrl.u32 s1, $0x2  }
0xbc: {  	s3 =	sand.u32 $0x4000, s31;
	s1 =	sadd.s32 s1, s30  }
0xbd: {  	s0 =	sor.u32 s3, s0;
	s1 =	sshll.u32 s1, $0x11  }
0xbe: {  	s0 =	sor.u32 s1, s0  }
0xbf: {  	s0 =	sadd.s32 $0x8F2B, s0  }
0xc0: {  	[sflag:s0] =	ssyncadd.remote.s32 $0x1  }
0xc1: {  	_ =	sfence.sel $0xFFFF  }
0xc2: {  	[dreg:$0x0] =	wrdreg $0xFFFFFFFF;
	(pc) =	sbr.abs _section_cstart, $3  }
0xc3: {  	[dreg:$0x1] =	wrdreg $0xFFFFFFFF  }
0xc4: {  	_ =	task.clear_ibuf [dreg:s8], $0x2FFFF;
	_ =	strace $0x9FFFFFFF  }
0xc5: {  	(tm) =	ssettm $0x7FFFFFFF  }
tec
execute0_lowered:
.L_overlay_start_1:
0x0: {  	(tag) =	ssettag $0x1  }
0x1: {  	s1 =	rddreg [dreg:$0x0]  }
0x2: {  	s0 =	srdreg.scid;
	s2 =	rddreg [dreg:$0x1]  }
0x3: {  	s11 =	stileid.u32;
	s6 =	rddreg [dreg:$0x2]  }
0x4: {  	s3 =	rddreg [dreg:$0x3];
	s4 =	simm.s32 $0x0;
	s28 =	simm.s32 $0x800  }
0x5: {  	s29 =	simm.s32 $0x80;
	s30 =	simm.s32 $0x5000;
	s20 =	smul.u32 $0x5000, s11  }
0x6: {  	s31 =	simm.s32 $0x880;
	s5 =	sand.u32 $0x1, s0;
	s22 =	smul.u32 $0x50000, s11  }
0x7: {  	[smem:$0x7FF] =	sst s4;
	s8 =	sadd.s32 $0xB800, s6;
	s11 =	smul.u32 $0x14000, s11  }
0x8: {  	s21 =	sadd.s32 $0xB000, s6;
	s9 =	sadd.s32 $0xC000, s6;
	s7 =	smul.u32 $0x2800, s5  }
0x9: {  	_ =	strace $0x80000047;
	[dreg:$0x12] =	wrdreg s8;
	s10 =	ssub.s32 $0x2, s5  }
0xa: {  	[dreg:$0x13] =	wrdreg s21;
	s5 =	smul.u32 $0x140000, s5;
	s12 =	sshrl.u32 s10, $0x1  }
0xb: {  	s8 =	sshrl.u32 s22, $0x2;
	s23 =	sadd.s32 $0x4000, s11;
	s24 =	sadd.s32 $0x8000, s11  }
0xc: {  	s13 =	sadd.s32 $0xC000, s11;
	s14 =	sadd.s32 $0x10000, s11;
	s22 =	simm.s32 $0x100  }
0xd: {  	s10 =	ssub.s32 s10, s12;
	s19 =	sadd.s32 s8, s3;
	s15 =	sadd.s32 s23, s3  }
0xe: {  	s16 =	sadd.s32 s24, s3;
	s17 =	sadd.s32 s13, s3;
	[dreg:$0x6] =	wrdreg s22  }
0xf: {  	s25 =	sadd.s32 s14, s3;
	s11 =	sadd.s32 s11, s5;
	[dreg:$0x17] =	wrdreg s17  }
0x10: {  	s8 =	sadd.s32 s5, s23;
	s23 =	simm.s32 $0x180;
	[dreg:$0x18] =	wrdreg s25  }
0x11: {  	s12 =	sadd.s32 s5, s24;
	s24 =	simm.s32 $0x200;
	[dreg:$0x7] =	wrdreg s23  }
0x12: {  	s21 =	sadd.s32 s5, s13;
	s13 =	simm.s32 $0x300;
	[dreg:$0x8] =	wrdreg s24  }
0x13: {  	s5 =	sadd.s32 s5, s14;
	s14 =	simm.s32 $0x380;
	[dreg:$0xa] =	wrdreg s13  }
0x14: {  	s0 =	sadd.s32 s7, s20;
	s22 =	simm.s32 $0x500;
	[dreg:$0xb] =	wrdreg s14  }
0x15: {  	s7 =	sshrl.u32 s0, $0x3;
	s11 =	sshrl.u32 s11, $0x3;
	[dreg:$0xe] =	wrdreg s22  }
0x16: {  	s8 =	sshrl.u32 s8, $0x3;
	s23 =	simm.s32 $0x580;
	[dreg:$0x14] =	wrdreg s19  }
0x17: {  	s12 =	sshrl.u32 s12, $0x3;
	s24 =	simm.s32 $0x600;
	[dreg:$0xf] =	wrdreg s23  }
0x18: {  	s5 =	sshrl.u32 s5, $0x3;
	s26 =	sadd.s32 s9, s11;
	[dreg:$0x10] =	wrdreg s24  }
0x19: {  	s13 =	simm.s32 $0xB80;
	s18 =	sadd.s32 s9, s8;
	[dreg:$0x19] =	wrdreg s26  }
0x1a: {  	s0 =	sadd.s32 s7, s6;
	s20 =	sadd.s32 s9, s12;
	[dreg:$0x1a] =	wrdreg s18  }
0x1b: {  	s2 =	sadd.s32 s7, s2;
	s7 =	sshrl.u32 s21, $0x3;
	[dreg:$0x1b] =	wrdreg s20  }
0x1c: {  	s14 =	simm.s32 $0xC00;
	[dreg:$0x5] =	wrdreg s2;
	s25 =	sadd.s32 s9, s7  }
0x1d: {  	s22 =	simm.s32 $0xF00;
	s26 =	simm.s32 $0x280;
	[dreg:$0x1c] =	wrdreg s25  }
0x1e: {  	s6 =	sadd.s32 $0x5C000, s6;
	s9 =	sadd.s32 s9, s5;
	[dreg:$0x9] =	wrdreg s26  }
0x1f: {  	s24 =	simm.s32 $0x1000;
	s17 =	sadd.s32 s6, s11;
	[dreg:$0x1d] =	wrdreg s9  }
0x20: {  	s11 =	smov.u32 s16;
	s8 =	sadd.s32 s6, s8;
	[dreg:$0x1e] =	wrdreg s17  }
0x21: {  	s18 =	simm.s32 $0x400;
	s20 =	simm.s32 $0x480;
	[dreg:$0x1f] =	wrdreg s8  }
0x22: {  	s21 =	sadd.s32 s6, s12;
	s7 =	sadd.s32 s6, s7;
	[dreg:$0xc] =	wrdreg s18  }
0x23: {  	s5 =	sadd.s32 s6, s5;
	s23 =	sadd.s32 $0x1000, s0;
	[smem:$0x7F9] =	sst s21  }
0x24: {  	s2 =	simm.s32 $0x900;
	s0 =	simm.s32 $0x980;
	[dreg:$0xd] =	wrdreg s20  }
0x25: {  	s6 =	simm.s32 $0xA80;
	s12 =	simm.s32 $0xB00;
	[smem:$0x7FA] =	sst s7  }
0x26: {  	s16 =	simm.s32 $0xD00;
	[smem:$0x7FB] =	sst s5;
	s25 =	smax.u32 s10, $0x1  }
0x27: {  	s10 =	smov.u32 s15;
	s26 =	simm.s32 $0x680;
	s5 =	simm.s32 $0xA00  }
0x28: {  	s15 =	simm.s32 $0xC80;
	s17 =	simm.s32 $0xD80;
	[dreg:$0x16] =	wrdreg s11  }
0x29: {  	s18 =	simm.s32 $0xE00;
	s20 =	simm.s32 $0xE80;
	[smem:$0x7FC] =	sst s25  }
0x2a: {  	s21 =	simm.s32 $0x780;
	s9 =	simm.s32 $0x0;
	[dreg:$0x11] =	wrdreg s26  }
0x2b: {  	s7 =	simm.s32 $0xF80;
	s8 =	simm.s32 $0x2;
	[smem:$0x7FD] =	sst s9  }
0x2c: {  	s25 =	simm.s32 $0x3;
	s26 =	simm.s32 $0x1;
	[dreg:$0x15] =	wrdreg s10  }
.LBB2_1:
0x2d: {  	s9 =	rddreg [dreg:$0x12]  }
0x2e: {  	[tilespmem:s24], [sflag:$0x3] =	stream.linear.gather [hbm4b:s9+s4], $0x4000, $0x38;
	[tilespmem:$0x1D000] =	vst v63  }
0x2f: {  	_ =	swait.ge [sflag:s25], $0x4000  }
0x30: {  	[sflag:s25] =	ssyncset.done $0x0  }
0x31: {  	[sflag:s25] =	ssyncadd.s32 $0xFFFFC000  }
0x32: {  	[spmem:s19] =	stream.linear.scatter [tilespmem:s24], [sflag:$0x1], $0x4000, $0x38;
	[tilespmem:$0x1D000] =	vst v63  }
0x33: {  	_ = 	snop  }
0x34: {  	[spmem:s10] =	stream.linear.scatter [tilespmem:s24], [sflag:$0x1], $0x4000, $0x38;
	[tilespmem:$0x1D000] =	vst v63  }
0x35: {  	_ = 	snop  }
0x36: {  	[spmem:s11] =	stream.linear.scatter [tilespmem:s24], [sflag:$0x1], $0x4000, $0x38;
	[tilespmem:$0x1D000] =	vst v63  }
0x37: {  	s11 =	rddreg [dreg:$0x17]  }
0x38: {  	[spmem:s11] =	stream.linear.scatter [tilespmem:s24], [sflag:$0x1], $0x4000, $0x38;
	[tilespmem:$0x1D000] =	vst v63  }
0x39: {  	s19 =	rddreg [dreg:$0x18]  }
0x3a: {  	[spmem:s19] =	stream.linear.scatter [tilespmem:s24], [sflag:$0x1], $0x4000, $0x38;
	[tilespmem:$0x1D000] =	vst v63  }
0x3b: {  	_ =	swait.ge [sflag:s26], $0x4000  }
0x3c: {  	[sflag:s26] =	ssyncset.done $0x0  }
0x3d: {  	[sflag:s26] =	ssyncadd.s32 $0xFFFFC000  }
0x3e: {  	_ =	swait.ge [sflag:s26], $0x4000  }
0x3f: {  	[sflag:s26] =	ssyncset.done $0x0  }
0x40: {  	[sflag:s26] =	ssyncadd.s32 $0xFFFFC000  }
0x41: {  	_ =	swait.ge [sflag:s26], $0x4000  }
0x42: {  	[sflag:s26] =	ssyncset.done $0x0  }
0x43: {  	[sflag:s26] =	ssyncadd.s32 $0xFFFFC000  }
0x44: {  	_ =	swait.ge [sflag:s26], $0x4000  }
0x45: {  	[sflag:s26] =	ssyncset.done $0x0  }
0x46: {  	[sflag:s26] =	ssyncadd.s32 $0xFFFFC000  }
0x47: {  	_ =	swait.ge [sflag:s26], $0x4000  }
0x48: {  	[sflag:s26] =	ssyncset.done $0x0  }
0x49: {  	[sflag:s26] =	ssyncadd.s32 $0xFFFFC000  }
0x4a: {  	[bflag:$0x0] =	sbarrier.arrive $0xFFFF  }
0x4b: {  	s10 =	rddreg [dreg:$0x5]  }
0x4c: {  	s9 =	sadd.s32 $0x0, s10  }
0x4d: {  	[tilespmem:s4], [sflag:$0x3] =	stream.linear.gather [hbm4b:s9+s4], $0x800, $0x38;
	[tilespmem:$0x1D000] =	vst v63  }
0x4e: {  	_ =	swait.ge [sflag:s25], $0x800  }
0x4f: {  	[sflag:s25] =	ssyncset.done $0x0  }
0x50: {  	s11 =	sadd.s32 $0x0, s23;
	[sflag:s25] =	ssyncadd.s32 $0xFFFFF800  }
0x51: {  	[tilespmem:s28], [sflag:$0x3] =	stream.linear.gather [hbm4b:s11+s4], $0x800, $0x38;
	[tilespmem:$0x1D000] =	vst v63  }
0x52: {  	_ =	swait.ge [sflag:s25], $0x800  }
0x53: {  	[sflag:s25] =	ssyncset.done $0x0  }
0x54: {  	[sflag:s25] =	ssyncadd.s32 $0xFFFFF800  }
0x55: {  	[tilespmem:s24], [sflag:$0x1] =	stream.indirect.gather [hbm4b:s1+s29], $0x80, s4, s29, $0xb8;
	[tilespmem:$0x1D000] =	vst v63  }
0x56: {  	_ =	swait.ge [sflag:s26], $0x4000  }
0x57: {  	[sflag:s26] =	ssyncset.done $0x0  }
0x58: {  	[sflag:s26] =	ssyncadd.s32 $0xFFFFC000  }
0x59: {  	[tilespmem:s30], [sflag:$0x1] =	stream.indirect.gather [hbm4b:s1+s29], $0x80, s29, s29, $0xb8;
	[tilespmem:$0x1D000] =	vst v63  }
0x5a: {  	_ = 	snop  }
0x5b: {  	[spmem:s3] =	stream.indirect.scatter.add.f32 [tilespmem:s24], [sflag:$0x3], $0x80, s28, s29, $0xb8;
	[tilespmem:$0x1D000] =	vst v63  }
0x5c: {  	_ =	swait.ge [sflag:s25], $0x4000  }
0x5d: {  	[sflag:s25] =	ssyncset.done $0x0  }
0x5e: {  	[sflag:s25] =	ssyncadd.s32 $0xFFFFC000  }
0x5f: {  	_ =	swait.ge [sflag:s26], $0x4000  }
0x60: {  	[sflag:s26] =	ssyncset.done $0x0  }
0x61: {  	s19 =	rddreg [dreg:$0x6];
	[sflag:s26] =	ssyncadd.s32 $0xFFFFC000  }
0x62: {  	[tilespmem:s24], [sflag:$0x1] =	stream.indirect.gather [hbm4b:s1+s29], $0x80, s19, s29, $0xb8;
	[tilespmem:$0x1D000] =	vst v63  }
0x63: {  	_ = 	snop  }
0x64: {  	[spmem:s3] =	stream.indirect.scatter.add.f32 [tilespmem:s30], [sflag:$0x3], $0x80, s31, s29, $0xb8;
	[tilespmem:$0x1D000] =	vst v63  }
0x65: {  	_ =	swait.ge [sflag:s25], $0x4000  }
0x66: {  	[sflag:s25] =	ssyncset.done $0x0  }
0x67: {  	[sflag:s25] =	ssyncadd.s32 $0xFFFFC000  }
0x68: {  	_ =	swait.ge [sflag:s26], $0x4000  }
0x69: {  	[sflag:s26] =	ssyncset.done $0x0  }
0x6a: {  	s10 =	rddreg [dreg:$0x7];
	[sflag:s26] =	ssyncadd.s32 $0xFFFFC000  }
0x6b: {  	[tilespmem:s30], [sflag:$0x1] =	stream.indirect.gather [hbm4b:s1+s29], $0x80, s10, s29, $0xb8;
	[tilespmem:$0x1D000] =	vst v63  }
0x6c: {  	_ = 	snop  }
0x6d: {  	[spmem:s3] =	stream.indirect.scatter.add.f32 [tilespmem:s24], [sflag:$0x3], $0x80, s2, s29, $0xb8;
	[tilespmem:$0x1D000] =	vst v63  }
0x6e: {  	_ =	swait.ge [sflag:s25], $0x4000  }
0x6f: {  	[sflag:s25] =	ssyncset.done $0x0  }
0x70: {  	[sflag:s25] =	ssyncadd.s32 $0xFFFFC000  }
0x71: {  	_ =	swait.ge [sflag:s26], $0x4000  }
0x72: {  	[sflag:s26] =	ssyncset.done $0x0  }
0x73: {  	s11 =	rddreg [dreg:$0x8];
	[sflag:s26] =	ssyncadd.s32 $0xFFFFC000  }
0x74: {  	[tilespmem:s24], [sflag:$0x1] =	stream.indirect.gather [hbm4b:s1+s29], $0x80, s11, s29, $0xb8;
	[tilespmem:$0x1D000] =	vst v63  }
0x75: {  	_ = 	snop  }
0x76: {  	[spmem:s3] =	stream.indirect.scatter.add.f32 [tilespmem:s30], [sflag:$0x3], $0x80, s0, s29, $0xb8;
	[tilespmem:$0x1D000] =	vst v63  }
0x77: {  	_ =	swait.ge [sflag:s25], $0x4000  }
0x78: {  	[sflag:s25] =	ssyncset.done $0x0  }
0x79: {  	[sflag:s25] =	ssyncadd.s32 $0xFFFFC000  }
0x7a: {  	_ =	swait.ge [sflag:s26], $0x4000  }
0x7b: {  	[sflag:s26] =	ssyncset.done $0x0  }
0x7c: {  	s19 =	rddreg [dreg:$0x9];
	[sflag:s26] =	ssyncadd.s32 $0xFFFFC000  }
0x7d: {  	[tilespmem:s30], [sflag:$0x1] =	stream.indirect.gather [hbm4b:s1+s29], $0x80, s19, s29, $0xb8;
	[tilespmem:$0x1D000] =	vst v63  }
0x7e: {  	_ = 	snop  }
0x7f: {  	[spmem:s3] =	stream.indirect.scatter.add.f32 [tilespmem:s24], [sflag:$0x3], $0x80, s5, s29, $0xb8;
	[tilespmem:$0x1D000] =	vst v63  }
0x80: {  	_ =	swait.ge [sflag:s25], $0x4000  }
0x81: {  	[sflag:s25] =	ssyncset.done $0x0  }
0x82: {  	[sflag:s25] =	ssyncadd.s32 $0xFFFFC000  }
0x83: {  	_ =	swait.ge [sflag:s26], $0x4000  }
0x84: {  	[sflag:s26] =	ssyncset.done $0x0  }
0x85: {  	s10 =	rddreg [dreg:$0xa];
	[sflag:s26] =	ssyncadd.s32 $0xFFFFC000  }
0x86: {  	[tilespmem:s24], [sflag:$0x1] =	stream.indirect.gather [hbm4b:s1+s29], $0x80, s10, s29, $0xb8;
	[tilespmem:$0x1D000] =	vst v63  }
0x87: {  	_ = 	snop  }
0x88: {  	[spmem:s3] =	stream.indirect.scatter.add.f32 [tilespmem:s30], [sflag:$0x3], $0x80, s6, s29, $0xb8;
	[tilespmem:$0x1D000] =	vst v63  }
0x89: {  	_ =	swait.ge [sflag:s25], $0x4000  }
0x8a: {  	[sflag:s25] =	ssyncset.done $0x0  }
0x8b: {  	[sflag:s25] =	ssyncadd.s32 $0xFFFFC000  }
0x8c: {  	_ =	swait.ge [sflag:s26], $0x4000  }
0x8d: {  	[sflag:s26] =	ssyncset.done $0x0  }
0x8e: {  	s11 =	rddreg [dreg:$0xb];
	[sflag:s26] =	ssyncadd.s32 $0xFFFFC000  }
0x8f: {  	[tilespmem:s30], [sflag:$0x1] =	stream.indirect.gather [hbm4b:s1+s29], $0x80, s11, s29, $0xb8;
	[tilespmem:$0x1D000] =	vst v63  }
0x90: {  	_ = 	snop  }
0x91: {  	[spmem:s3] =	stream.indirect.scatter.add.f32 [tilespmem:s24], [sflag:$0x3], $0x80, s12, s29, $0xb8;
	[tilespmem:$0x1D000] =	vst v63  }
0x92: {  	_ =	swait.ge [sflag:s25], $0x4000  }
0x93: {  	[sflag:s25] =	ssyncset.done $0x0  }
0x94: {  	[sflag:s25] =	ssyncadd.s32 $0xFFFFC000  }
0x95: {  	_ =	swait.ge [sflag:s26], $0x4000  }
0x96: {  	[sflag:s26] =	ssyncset.done $0x0  }
0x97: {  	s19 =	rddreg [dreg:$0xc];
	[sflag:s26] =	ssyncadd.s32 $0xFFFFC000  }
0x98: {  	[tilespmem:s24], [sflag:$0x1] =	stream.indirect.gather [hbm4b:s1+s29], $0x80, s19, s29, $0xb8;
	[tilespmem:$0x1D000] =	vst v63  }
0x99: {  	_ = 	snop  }
0x9a: {  	[spmem:s3] =	stream.indirect.scatter.add.f32 [tilespmem:s30], [sflag:$0x3], $0x80, s13, s29, $0xb8;
	[tilespmem:$0x1D000] =	vst v63  }
0x9b: {  	_ =	swait.ge [sflag:s25], $0x4000  }
0x9c: {  	[sflag:s25] =	ssyncset.done $0x0  }
0x9d: {  	[sflag:s25] =	ssyncadd.s32 $0xFFFFC000  }
0x9e: {  	_ =	swait.ge [sflag:s26], $0x4000  }
0x9f: {  	[sflag:s26] =	ssyncset.done $0x0  }
0xa0: {  	s10 =	rddreg [dreg:$0xd];
	[sflag:s26] =	ssyncadd.s32 $0xFFFFC000  }
0xa1: {  	[tilespmem:s30], [sflag:$0x1] =	stream.indirect.gather [hbm4b:s1+s29], $0x80, s10, s29, $0xb8;
	[tilespmem:$0x1D000] =	vst v63  }
0xa2: {  	_ = 	snop  }
0xa3: {  	[spmem:s3] =	stream.indirect.scatter.add.f32 [tilespmem:s24], [sflag:$0x3], $0x80, s14, s29, $0xb8;
	[tilespmem:$0x1D000] =	vst v63  }
0xa4: {  	_ =	swait.ge [sflag:s25], $0x4000  }
0xa5: {  	[sflag:s25] =	ssyncset.done $0x0  }
0xa6: {  	[sflag:s25] =	ssyncadd.s32 $0xFFFFC000  }
0xa7: {  	_ =	swait.ge [sflag:s26], $0x4000  }
0xa8: {  	[sflag:s26] =	ssyncset.done $0x0  }
0xa9: {  	s11 =	rddreg [dreg:$0xe];
	[sflag:s26] =	ssyncadd.s32 $0xFFFFC000  }
0xaa: {  	[tilespmem:s24], [sflag:$0x1] =	stream.indirect.gather [hbm4b:s1+s29], $0x80, s11, s29, $0xb8;
	[tilespmem:$0x1D000] =	vst v63  }
0xab: {  	_ = 	snop  }
0xac: {  	[spmem:s3] =	stream.indirect.scatter.add.f32 [tilespmem:s30], [sflag:$0x3], $0x80, s15, s29, $0xb8;
	[tilespmem:$0x1D000] =	vst v63  }
0xad: {  	_ =	swait.ge [sflag:s25], $0x4000  }
0xae: {  	[sflag:s25] =	ssyncset.done $0x0  }
0xaf: {  	[sflag:s25] =	ssyncadd.s32 $0xFFFFC000  }
0xb0: {  	_ =	swait.ge [sflag:s26], $0x4000  }
0xb1: {  	[sflag:s26] =	ssyncset.done $0x0  }
0xb2: {  	s19 =	rddreg [dreg:$0xf];
	[sflag:s26] =	ssyncadd.s32 $0xFFFFC000  }
0xb3: {  	[tilespmem:s30], [sflag:$0x1] =	stream.indirect.gather [hbm4b:s1+s29], $0x80, s19, s29, $0xb8;
	[tilespmem:$0x1D000] =	vst v63  }
0xb4: {  	_ = 	snop  }
0xb5: {  	[spmem:s3] =	stream.indirect.scatter.add.f32 [tilespmem:s24], [sflag:$0x3], $0x80, s16, s29, $0xb8;
	[tilespmem:$0x1D000] =	vst v63  }
0xb6: {  	_ =	swait.ge [sflag:s25], $0x4000  }
0xb7: {  	[sflag:s25] =	ssyncset.done $0x0  }
0xb8: {  	[sflag:s25] =	ssyncadd.s32 $0xFFFFC000  }
0xb9: {  	_ =	swait.ge [sflag:s26], $0x4000  }
0xba: {  	[sflag:s26] =	ssyncset.done $0x0  }
0xbb: {  	s10 =	rddreg [dreg:$0x10];
	[sflag:s26] =	ssyncadd.s32 $0xFFFFC000  }
0xbc: {  	[tilespmem:s24], [sflag:$0x1] =	stream.indirect.gather [hbm4b:s1+s29], $0x80, s10, s29, $0xb8;
	[tilespmem:$0x1D000] =	vst v63  }
0xbd: {  	_ = 	snop  }
0xbe: {  	[spmem:s3] =	stream.indirect.scatter.add.f32 [tilespmem:s30], [sflag:$0x3], $0x80, s17, s29, $0xb8;
	[tilespmem:$0x1D000] =	vst v63  }
0xbf: {  	_ =	swait.ge [sflag:s25], $0x4000  }
0xc0: {  	[sflag:s25] =	ssyncset.done $0x0  }
0xc1: {  	[sflag:s25] =	ssyncadd.s32 $0xFFFFC000  }
0xc2: {  	_ =	swait.ge [sflag:s26], $0x4000  }
0xc3: {  	[sflag:s26] =	ssyncset.done $0x0  }
0xc4: {  	s11 =	rddreg [dreg:$0x11];
	[sflag:s26] =	ssyncadd.s32 $0xFFFFC000  }
0xc5: {  	[tilespmem:s30], [sflag:$0x1] =	stream.indirect.gather [hbm4b:s1+s29], $0x80, s11, s29, $0xb8;
	[tilespmem:$0x1D000] =	vst v63  }
0xc6: {  	_ = 	snop  }
0xc7: {  	[spmem:s3] =	stream.indirect.scatter.add.f32 [tilespmem:s24], [sflag:$0x3], $0x80, s18, s29, $0xb8;
	[tilespmem:$0x1D000] =	vst v63  }
0xc8: {  	_ =	swait.ge [sflag:s25], $0x4000  }
0xc9: {  	[sflag:s25] =	ssyncset.done $0x0  }
0xca: {  	[sflag:s25] =	ssyncadd.s32 $0xFFFFC000  }
0xcb: {  	_ =	swait.ge [sflag:s26], $0x4000  }
0xcc: {  	[sflag:s26] =	ssyncset.done $0x0  }
0xcd: {  	s19 =	simm.s32 $0x700;
	[sflag:s26] =	ssyncadd.s32 $0xFFFFC000  }
0xce: {  	[tilespmem:s24], [sflag:$0x1] =	stream.indirect.gather [hbm4b:s1+s29], $0x80, s19, s29, $0xb8;
	[tilespmem:$0x1D000] =	vst v63  }
0xcf: {  	_ = 	snop  }
0xd0: {  	[spmem:s3] =	stream.indirect.scatter.add.f32 [tilespmem:s30], [sflag:$0x3], $0x80, s20, s29, $0xb8;
	[tilespmem:$0x1D000] =	vst v63  }
0xd1: {  	_ =	swait.ge [sflag:s25], $0x4000  }
0xd2: {  	[sflag:s25] =	ssyncset.done $0x0  }
0xd3: {  	[sflag:s25] =	ssyncadd.s32 $0xFFFFC000  }
0xd4: {  	_ =	swait.ge [sflag:s26], $0x4000  }
0xd5: {  	[sflag:s26] =	ssyncset.done $0x0  }
0xd6: {  	[sflag:s26] =	ssyncadd.s32 $0xFFFFC000  }
0xd7: {  	[tilespmem:s30], [sflag:$0x1] =	stream.indirect.gather [hbm4b:s1+s29], $0x80, s21, s29, $0xb8;
	[tilespmem:$0x1D000] =	vst v63  }
0xd8: {  	_ = 	snop  }
0xd9: {  	[spmem:s3] =	stream.indirect.scatter.add.f32 [tilespmem:s24], [sflag:$0x3], $0x80, s22, s29, $0xb8;
	[tilespmem:$0x1D000] =	vst v63  }
0xda: {  	_ =	swait.ge [sflag:s25], $0x4000  }
0xdb: {  	[sflag:s25] =	ssyncset.done $0x0  }
0xdc: {  	[sflag:s25] =	ssyncadd.s32 $0xFFFFC000  }
0xdd: {  	_ =	swait.ge [sflag:s26], $0x4000  }
0xde: {  	[sflag:s26] =	ssyncset.done $0x0  }
0xdf: {  	[sflag:s26] =	ssyncadd.s32 $0xFFFFC000  }
0xe0: {  	[spmem:s3] =	stream.indirect.scatter.add.f32 [tilespmem:s30], [sflag:$0x3], $0x80, s7, s29, $0xb8;
	[tilespmem:$0x1D000] =	vst v63  }
0xe1: {  	s10 =	simm.s32 $0x100;
	_ =	swait.ge [sflag:s25], $0x4000  }
0xe2: {  	s11 =	simm.s32 $0x200;
	s9 =	rddreg [dreg:$0x5];
	[sflag:s25] =	ssyncset.done $0x0  }
.LBB2_2:
0xe3: {  	[sflag:s25] =	ssyncadd.s32 $0xFFFFC000;
	s9 =	sadd.s32 s10, s9  }
0xe4: {  	[tilespmem:s4], [sflag:$0x3] =	stream.linear.gather [hbm4b:s9+s4], $0x800, $0x38;
	[tilespmem:$0x1D000] =	vst v63  }
0xe5: {  	_ =	swait.ge [sflag:s25], $0x800  }
0xe6: {  	[sflag:s25] =	ssyncset.done $0x0  }
0xe7: {  	s9 =	sadd.s32 s10, s23;
	[sflag:s25] =	ssyncadd.s32 $0xFFFFF800  }
0xe8: {  	[tilespmem:s28], [sflag:$0x3] =	stream.linear.gather [hbm4b:s9+s4], $0x800, $0x38;
	[tilespmem:$0x1D000] =	vst v63  }
0xe9: {  	_ =	swait.ge [sflag:s25], $0x800  }
0xea: {  	[sflag:s25] =	ssyncset.done $0x0  }
0xeb: {  	[sflag:s25] =	ssyncadd.s32 $0xFFFFF800  }
0xec: {  	[tilespmem:s24], [sflag:$0x1] =	stream.indirect.gather [hbm4b:s1+s29], $0x80, s4, s29, $0xb8;
	[tilespmem:$0x1D000] =	vst v63  }
0xed: {  	_ =	swait.ge [sflag:s26], $0x4000  }
0xee: {  	[sflag:s26] =	ssyncset.done $0x0  }
0xef: {  	[sflag:s26] =	ssyncadd.s32 $0xFFFFC000  }
0xf0: {  	[tilespmem:s30], [sflag:$0x1] =	stream.indirect.gather [hbm4b:s1+s29], $0x80, s29, s29, $0xb8;
	[tilespmem:$0x1D000] =	vst v63  }
0xf1: {  	_ = 	snop  }
0xf2: {  	[spmem:s3] =	stream.indirect.scatter.add.f32 [tilespmem:s24], [sflag:$0x3], $0x80, s28, s29, $0xb8;
	[tilespmem:$0x1D000] =	vst v63  }
0xf3: {  	_ =	swait.ge [sflag:s25], $0x4000  }
0xf4: {  	[sflag:s25] =	ssyncset.done $0x0  }
0xf5: {  	[sflag:s25] =	ssyncadd.s32 $0xFFFFC000  }
0xf6: {  	_ =	swait.ge [sflag:s26], $0x4000  }
0xf7: {  	[sflag:s26] =	ssyncset.done $0x0  }
0xf8: {  	s9 =	rddreg [dreg:$0x6];
	[sflag:s26] =	ssyncadd.s32 $0xFFFFC000  }
0xf9: {  	[tilespmem:s24], [sflag:$0x1] =	stream.indirect.gather [hbm4b:s1+s29], $0x80, s9, s29, $0xb8;
	[tilespmem:$0x1D000] =	vst v63  }
0xfa: {  	_ = 	snop  }
0xfb: {  	[spmem:s3] =	stream.indirect.scatter.add.f32 [tilespmem:s30], [sflag:$0x3], $0x80, s31, s29, $0xb8;
	[tilespmem:$0x1D000] =	vst v63  }
0xfc: {  	_ =	swait.ge [sflag:s25], $0x4000  }
0xfd: {  	[sflag:s25] =	ssyncset.done $0x0  }
0xfe: {  	[sflag:s25] =	ssyncadd.s32 $0xFFFFC000  }
0xff: {  	_ =	swait.ge [sflag:s26], $0x4000  }
0x100: {  	[sflag:s26] =	ssyncset.done $0x0  }
0x101: {  	s9 =	rddreg [dreg:$0x7];
	[sflag:s26] =	ssyncadd.s32 $0xFFFFC000  }
0x102: {  	[tilespmem:s30], [sflag:$0x1] =	stream.indirect.gather [hbm4b:s1+s29], $0x80, s9, s29, $0xb8;
	[tilespmem:$0x1D000] =	vst v63  }
0x103: {  	_ = 	snop  }
0x104: {  	[spmem:s3] =	stream.indirect.scatter.add.f32 [tilespmem:s24], [sflag:$0x3], $0x80, s2, s29, $0xb8;
	[tilespmem:$0x1D000] =	vst v63  }
0x105: {  	_ =	swait.ge [sflag:s25], $0x4000  }
0x106: {  	[sflag:s25] =	ssyncset.done $0x0  }
0x107: {  	[sflag:s25] =	ssyncadd.s32 $0xFFFFC000  }
0x108: {  	_ =	swait.ge [sflag:s26], $0x4000  }
0x109: {  	[sflag:s26] =	ssyncset.done $0x0  }
0x10a: {  	s9 =	rddreg [dreg:$0x8];
	[sflag:s26] =	ssyncadd.s32 $0xFFFFC000  }
0x10b: {  	[tilespmem:s24], [sflag:$0x1] =	stream.indirect.gather [hbm4b:s1+s29], $0x80, s9, s29, $0xb8;
	[tilespmem:$0x1D000] =	vst v63  }
0x10c: {  	_ = 	snop  }
0x10d: {  	[spmem:s3] =	stream.indirect.scatter.add.f32 [tilespmem:s30], [sflag:$0x3], $0x80, s0, s29, $0xb8;
	[tilespmem:$0x1D000] =	vst v63  }
0x10e: {  	_ =	swait.ge [sflag:s25], $0x4000  }
0x10f: {  	[sflag:s25] =	ssyncset.done $0x0  }
0x110: {  	[sflag:s25] =	ssyncadd.s32 $0xFFFFC000  }
0x111: {  	_ =	swait.ge [sflag:s26], $0x4000  }
0x112: {  	[sflag:s26] =	ssyncset.done $0x0  }
0x113: {  	s9 =	rddreg [dreg:$0x9];
	[sflag:s26] =	ssyncadd.s32 $0xFFFFC000  }
0x114: {  	[tilespmem:s30], [sflag:$0x1] =	stream.indirect.gather [hbm4b:s1+s29], $0x80, s9, s29, $0xb8;
	[tilespmem:$0x1D000] =	vst v63  }
0x115: {  	_ = 	snop  }
0x116: {  	[spmem:s3] =	stream.indirect.scatter.add.f32 [tilespmem:s24], [sflag:$0x3], $0x80, s5, s29, $0xb8;
	[tilespmem:$0x1D000] =	vst v63  }
0x117: {  	_ =	swait.ge [sflag:s25], $0x4000  }
0x118: {  	[sflag:s25] =	ssyncset.done $0x0  }
0x119: {  	[sflag:s25] =	ssyncadd.s32 $0xFFFFC000  }
0x11a: {  	_ =	swait.ge [sflag:s26], $0x4000  }
0x11b: {  	[sflag:s26] =	ssyncset.done $0x0  }
0x11c: {  	s9 =	rddreg [dreg:$0xa];
	[sflag:s26] =	ssyncadd.s32 $0xFFFFC000  }
0x11d: {  	[tilespmem:s24], [sflag:$0x1] =	stream.indirect.gather [hbm4b:s1+s29], $0x80, s9, s29, $0xb8;
	[tilespmem:$0x1D000] =	vst v63  }
0x11e: {  	_ = 	snop  }
0x11f: {  	[spmem:s3] =	stream.indirect.scatter.add.f32 [tilespmem:s30], [sflag:$0x3], $0x80, s6, s29, $0xb8;
	[tilespmem:$0x1D000] =	vst v63  }
0x120: {  	_ =	swait.ge [sflag:s25], $0x4000  }
0x121: {  	[sflag:s25] =	ssyncset.done $0x0  }
0x122: {  	[sflag:s25] =	ssyncadd.s32 $0xFFFFC000  }
0x123: {  	_ =	swait.ge [sflag:s26], $0x4000  }
0x124: {  	[sflag:s26] =	ssyncset.done $0x0  }
0x125: {  	s9 =	rddreg [dreg:$0xb];
	[sflag:s26] =	ssyncadd.s32 $0xFFFFC000  }
0x126: {  	[tilespmem:s30], [sflag:$0x1] =	stream.indirect.gather [hbm4b:s1+s29], $0x80, s9, s29, $0xb8;
	[tilespmem:$0x1D000] =	vst v63  }
0x127: {  	_ = 	snop  }
0x128: {  	[spmem:s3] =	stream.indirect.scatter.add.f32 [tilespmem:s24], [sflag:$0x3], $0x80, s12, s29, $0xb8;
	[tilespmem:$0x1D000] =	vst v63  }
0x129: {  	_ =	swait.ge [sflag:s25], $0x4000  }
0x12a: {  	[sflag:s25] =	ssyncset.done $0x0  }
0x12b: {  	[sflag:s25] =	ssyncadd.s32 $0xFFFFC000  }
0x12c: {  	_ =	swait.ge [sflag:s26], $0x4000  }
0x12d: {  	[sflag:s26] =	ssyncset.done $0x0  }
0x12e: {  	s9 =	rddreg [dreg:$0xc];
	[sflag:s26] =	ssyncadd.s32 $0xFFFFC000  }
0x12f: {  	[tilespmem:s24], [sflag:$0x1] =	stream.indirect.gather [hbm4b:s1+s29], $0x80, s9, s29, $0xb8;
	[tilespmem:$0x1D000] =	vst v63  }
0x130: {  	_ = 	snop  }
0x131: {  	[spmem:s3] =	stream.indirect.scatter.add.f32 [tilespmem:s30], [sflag:$0x3], $0x80, s13, s29, $0xb8;
	[tilespmem:$0x1D000] =	vst v63  }
0x132: {  	_ =	swait.ge [sflag:s25], $0x4000  }
0x133: {  	[sflag:s25] =	ssyncset.done $0x0  }
0x134: {  	[sflag:s25] =	ssyncadd.s32 $0xFFFFC000  }
0x135: {  	_ =	swait.ge [sflag:s26], $0x4000  }
0x136: {  	[sflag:s26] =	ssyncset.done $0x0  }
0x137: {  	s9 =	rddreg [dreg:$0xd];
	[sflag:s26] =	ssyncadd.s32 $0xFFFFC000  }
0x138: {  	[tilespmem:s30], [sflag:$0x1] =	stream.indirect.gather [hbm4b:s1+s29], $0x80, s9, s29, $0xb8;
	[tilespmem:$0x1D000] =	vst v63  }
0x139: {  	_ = 	snop  }
0x13a: {  	[spmem:s3] =	stream.indirect.scatter.add.f32 [tilespmem:s24], [sflag:$0x3], $0x80, s14, s29, $0xb8;
	[tilespmem:$0x1D000] =	vst v63  }
0x13b: {  	_ =	swait.ge [sflag:s25], $0x4000  }
0x13c: {  	[sflag:s25] =	ssyncset.done $0x0  }
0x13d: {  	[sflag:s25] =	ssyncadd.s32 $0xFFFFC000  }
0x13e: {  	_ =	swait.ge [sflag:s26], $0x4000  }
0x13f: {  	[sflag:s26] =	ssyncset.done $0x0  }
0x140: {  	s9 =	rddreg [dreg:$0xe];
	[sflag:s26] =	ssyncadd.s32 $0xFFFFC000  }
0x141: {  	[tilespmem:s24], [sflag:$0x1] =	stream.indirect.gather [hbm4b:s1+s29], $0x80, s9, s29, $0xb8;
	[tilespmem:$0x1D000] =	vst v63  }
0x142: {  	_ = 	snop  }
0x143: {  	[spmem:s3] =	stream.indirect.scatter.add.f32 [tilespmem:s30], [sflag:$0x3], $0x80, s15, s29, $0xb8;
	[tilespmem:$0x1D000] =	vst v63  }
0x144: {  	_ =	swait.ge [sflag:s25], $0x4000  }
0x145: {  	[sflag:s25] =	ssyncset.done $0x0  }
0x146: {  	[sflag:s25] =	ssyncadd.s32 $0xFFFFC000  }
0x147: {  	_ =	swait.ge [sflag:s26], $0x4000  }
0x148: {  	[sflag:s26] =	ssyncset.done $0x0  }
0x149: {  	s9 =	rddreg [dreg:$0xf];
	[sflag:s26] =	ssyncadd.s32 $0xFFFFC000  }
0x14a: {  	[tilespmem:s30], [sflag:$0x1] =	stream.indirect.gather [hbm4b:s1+s29], $0x80, s9, s29, $0xb8;
	[tilespmem:$0x1D000] =	vst v63  }
0x14b: {  	_ = 	snop  }
0x14c: {  	[spmem:s3] =	stream.indirect.scatter.add.f32 [tilespmem:s24], [sflag:$0x3], $0x80, s16, s29, $0xb8;
	[tilespmem:$0x1D000] =	vst v63  }
0x14d: {  	_ =	swait.ge [sflag:s25], $0x4000  }
0x14e: {  	[sflag:s25] =	ssyncset.done $0x0  }
0x14f: {  	[sflag:s25] =	ssyncadd.s32 $0xFFFFC000  }
0x150: {  	_ =	swait.ge [sflag:s26], $0x4000  }
0x151: {  	[sflag:s26] =	ssyncset.done $0x0  }
0x152: {  	s9 =	rddreg [dreg:$0x10];
	[sflag:s26] =	ssyncadd.s32 $0xFFFFC000  }
0x153: {  	[tilespmem:s24], [sflag:$0x1] =	stream.indirect.gather [hbm4b:s1+s29], $0x80, s9, s29, $0xb8;
	[tilespmem:$0x1D000] =	vst v63  }
0x154: {  	_ = 	snop  }
0x155: {  	[spmem:s3] =	stream.indirect.scatter.add.f32 [tilespmem:s30], [sflag:$0x3], $0x80, s17, s29, $0xb8;
	[tilespmem:$0x1D000] =	vst v63  }
0x156: {  	_ =	swait.ge [sflag:s25], $0x4000  }
0x157: {  	[sflag:s25] =	ssyncset.done $0x0  }
0x158: {  	[sflag:s25] =	ssyncadd.s32 $0xFFFFC000  }
0x159: {  	_ =	swait.ge [sflag:s26], $0x4000  }
0x15a: {  	[sflag:s26] =	ssyncset.done $0x0  }
0x15b: {  	s9 =	rddreg [dreg:$0x11];
	[sflag:s26] =	ssyncadd.s32 $0xFFFFC000  }
0x15c: {  	[tilespmem:s30], [sflag:$0x1] =	stream.indirect.gather [hbm4b:s1+s29], $0x80, s9, s29, $0xb8;
	[tilespmem:$0x1D000] =	vst v63  }
0x15d: {  	_ = 	snop  }
0x15e: {  	[spmem:s3] =	stream.indirect.scatter.add.f32 [tilespmem:s24], [sflag:$0x3], $0x80, s18, s29, $0xb8;
	[tilespmem:$0x1D000] =	vst v63  }
0x15f: {  	_ =	swait.ge [sflag:s25], $0x4000  }
0x160: {  	[sflag:s25] =	ssyncset.done $0x0  }
0x161: {  	[sflag:s25] =	ssyncadd.s32 $0xFFFFC000  }
0x162: {  	_ =	swait.ge [sflag:s26], $0x4000  }
0x163: {  	s19 =	smov.u32 s11;
	[sflag:s26] =	ssyncset.done $0x0  }
0x164: {  	s10 =	smov.u32 s19;
	s19 =	simm.s32 $0x700;
	[sflag:s26] =	ssyncadd.s32 $0xFFFFC000  }
0x165: {  	[tilespmem:s24], [sflag:$0x1] =	stream.indirect.gather [hbm4b:s1+s29], $0x80, s19, s29, $0xb8;
	[tilespmem:$0x1D000] =	vst v63  }
0x166: {  	_ = 	snop  }
0x167: {  	[spmem:s3] =	stream.indirect.scatter.add.f32 [tilespmem:s30], [sflag:$0x3], $0x80, s20, s29, $0xb8;
	[tilespmem:$0x1D000] =	vst v63  }
0x168: {  	_ =	swait.ge [sflag:s25], $0x4000  }
0x169: {  	[sflag:s25] =	ssyncset.done $0x0  }
0x16a: {  	[sflag:s25] =	ssyncadd.s32 $0xFFFFC000  }
0x16b: {  	_ =	swait.ge [sflag:s26], $0x4000  }
0x16c: {  	[sflag:s26] =	ssyncset.done $0x0  }
0x16d: {  	[sflag:s26] =	ssyncadd.s32 $0xFFFFC000  }
0x16e: {  	[tilespmem:s30], [sflag:$0x1] =	stream.indirect.gather [hbm4b:s1+s29], $0x80, s21, s29, $0xb8;
	[tilespmem:$0x1D000] =	vst v63  }
0x16f: {  	_ = 	snop  }
0x170: {  	[spmem:s3] =	stream.indirect.scatter.add.f32 [tilespmem:s24], [sflag:$0x3], $0x80, s22, s29, $0xb8;
	[tilespmem:$0x1D000] =	vst v63  }
0x171: {  	_ =	swait.ge [sflag:s25], $0x4000  }
0x172: {  	[sflag:s25] =	ssyncset.done $0x0  }
0x173: {  	[sflag:s25] =	ssyncadd.s32 $0xFFFFC000  }
0x174: {  	p0 =	sne.s32 s11, $0x400;
	_ =	swait.ge [sflag:s26], $0x4000  }
.Ltmp0:
0x175: {  	[sflag:s26] =	ssyncset.done $0x0;
	(pc) =	sbr.rel @p0 .LBB2_2-.Ltmp0, $4  }
0x176: {  	[sflag:s26] =	ssyncadd.s32 $0xFFFFC000  }
0x177: {  	[spmem:s3] =	stream.indirect.scatter.add.f32 [tilespmem:s30], [sflag:$0x3], $0x80, s7, s29, $0xb8;
	[tilespmem:$0x1D000] =	vst v63  }
0x178: {  	_ =	swait.ge [sflag:s25], $0x4000  }
0x179: {  	s11 =	sadd.s32 $0x100, s11;
	s9 =	rddreg [dreg:$0x5];
	[sflag:s25] =	ssyncset.done $0x0  }
0x17a: {  	[sflag:s25] =	ssyncadd.s32 $0xFFFFC000;
	s9 =	sadd.s32 s10, s9  }
0x17b: {  	[tilespmem:s4], [sflag:$0x3] =	stream.linear.gather [hbm4b:s9+s4], $0x800, $0x38;
	[tilespmem:$0x1D000] =	vst v63  }
0x17c: {  	_ =	swait.ge [sflag:s25], $0x800  }
0x17d: {  	[sflag:s25] =	ssyncset.done $0x0  }
0x17e: {  	s11 =	sadd.s32 s10, s23;
	[sflag:s25] =	ssyncadd.s32 $0xFFFFF800  }
0x17f: {  	[tilespmem:s28], [sflag:$0x3] =	stream.linear.gather [hbm4b:s11+s4], $0x800, $0x38;
	[tilespmem:$0x1D000] =	vst v63  }
0x180: {  	_ =	swait.ge [sflag:s25], $0x800  }
0x181: {  	[sflag:s25] =	ssyncset.done $0x0  }
0x182: {  	[sflag:s25] =	ssyncadd.s32 $0xFFFFF800  }
0x183: {  	[tilespmem:s24], [sflag:$0x1] =	stream.indirect.gather [hbm4b:s1+s29], $0x80, s4, s29, $0xb8;
	[tilespmem:$0x1D000] =	vst v63  }
0x184: {  	_ =	swait.ge [sflag:s26], $0x4000  }
0x185: {  	[sflag:s26] =	ssyncset.done $0x0  }
0x186: {  	[sflag:s26] =	ssyncadd.s32 $0xFFFFC000  }
0x187: {  	[tilespmem:s30], [sflag:$0x1] =	stream.indirect.gather [hbm4b:s1+s29], $0x80, s29, s29, $0xb8;
	[tilespmem:$0x1D000] =	vst v63  }
0x188: {  	_ = 	snop  }
0x189: {  	[spmem:s3] =	stream.indirect.scatter.add.f32 [tilespmem:s24], [sflag:$0x3], $0x80, s28, s29, $0xb8;
	[tilespmem:$0x1D000] =	vst v63  }
0x18a: {  	_ =	swait.ge [sflag:s25], $0x4000  }
0x18b: {  	[sflag:s25] =	ssyncset.done $0x0  }
0x18c: {  	[sflag:s25] =	ssyncadd.s32 $0xFFFFC000  }
0x18d: {  	_ =	swait.ge [sflag:s26], $0x4000  }
0x18e: {  	[sflag:s26] =	ssyncset.done $0x0  }
0x18f: {  	s10 =	rddreg [dreg:$0x6];
	[sflag:s26] =	ssyncadd.s32 $0xFFFFC000  }
0x190: {  	[tilespmem:s24], [sflag:$0x1] =	stream.indirect.gather [hbm4b:s1+s29], $0x80, s10, s29, $0xb8;
	[tilespmem:$0x1D000] =	vst v63  }
0x191: {  	_ = 	snop  }
0x192: {  	[spmem:s3] =	stream.indirect.scatter.add.f32 [tilespmem:s30], [sflag:$0x3], $0x80, s31, s29, $0xb8;
	[tilespmem:$0x1D000] =	vst v63  }
0x193: {  	_ =	swait.ge [sflag:s25], $0x4000  }
0x194: {  	[sflag:s25] =	ssyncset.done $0x0  }
0x195: {  	[sflag:s25] =	ssyncadd.s32 $0xFFFFC000  }
0x196: {  	_ =	swait.ge [sflag:s26], $0x4000  }
0x197: {  	[sflag:s26] =	ssyncset.done $0x0  }
0x198: {  	s11 =	rddreg [dreg:$0x7];
	[sflag:s26] =	ssyncadd.s32 $0xFFFFC000  }
0x199: {  	[tilespmem:s30], [sflag:$0x1] =	stream.indirect.gather [hbm4b:s1+s29], $0x80, s11, s29, $0xb8;
	[tilespmem:$0x1D000] =	vst v63  }
0x19a: {  	_ = 	snop  }
0x19b: {  	[spmem:s3] =	stream.indirect.scatter.add.f32 [tilespmem:s24], [sflag:$0x3], $0x80, s2, s29, $0xb8;
	[tilespmem:$0x1D000] =	vst v63  }
0x19c: {  	_ =	swait.ge [sflag:s25], $0x4000  }
0x19d: {  	[sflag:s25] =	ssyncset.done $0x0  }
0x19e: {  	[sflag:s25] =	ssyncadd.s32 $0xFFFFC000  }
0x19f: {  	_ =	swait.ge [sflag:s26], $0x4000  }
0x1a0: {  	[sflag:s26] =	ssyncset.done $0x0  }
0x1a1: {  	s10 =	rddreg [dreg:$0x8];
	[sflag:s26] =	ssyncadd.s32 $0xFFFFC000  }
0x1a2: {  	[tilespmem:s24], [sflag:$0x1] =	stream.indirect.gather [hbm4b:s1+s29], $0x80, s10, s29, $0xb8;
	[tilespmem:$0x1D000] =	vst v63  }
0x1a3: {  	_ = 	snop  }
0x1a4: {  	[spmem:s3] =	stream.indirect.scatter.add.f32 [tilespmem:s30], [sflag:$0x3], $0x80, s0, s29, $0xb8;
	[tilespmem:$0x1D000] =	vst v63  }
0x1a5: {  	_ =	swait.ge [sflag:s25], $0x4000  }
0x1a6: {  	[sflag:s25] =	ssyncset.done $0x0  }
0x1a7: {  	[sflag:s25] =	ssyncadd.s32 $0xFFFFC000  }
0x1a8: {  	_ =	swait.ge [sflag:s26], $0x4000  }
0x1a9: {  	[sflag:s26] =	ssyncset.done $0x0  }
0x1aa: {  	s11 =	rddreg [dreg:$0x9];
	[sflag:s26] =	ssyncadd.s32 $0xFFFFC000  }
0x1ab: {  	[tilespmem:s30], [sflag:$0x1] =	stream.indirect.gather [hbm4b:s1+s29], $0x80, s11, s29, $0xb8;
	[tilespmem:$0x1D000] =	vst v63  }
0x1ac: {  	_ = 	snop  }
0x1ad: {  	[spmem:s3] =	stream.indirect.scatter.add.f32 [tilespmem:s24], [sflag:$0x3], $0x80, s5, s29, $0xb8;
	[tilespmem:$0x1D000] =	vst v63  }
0x1ae: {  	_ =	swait.ge [sflag:s25], $0x4000  }
0x1af: {  	[sflag:s25] =	ssyncset.done $0x0  }
0x1b0: {  	[sflag:s25] =	ssyncadd.s32 $0xFFFFC000  }
0x1b1: {  	_ =	swait.ge [sflag:s26], $0x4000  }
0x1b2: {  	[sflag:s26] =	ssyncset.done $0x0  }
0x1b3: {  	s10 =	rddreg [dreg:$0xa];
	[sflag:s26] =	ssyncadd.s32 $0xFFFFC000  }
0x1b4: {  	[tilespmem:s24], [sflag:$0x1] =	stream.indirect.gather [hbm4b:s1+s29], $0x80, s10, s29, $0xb8;
	[tilespmem:$0x1D000] =	vst v63  }
0x1b5: {  	_ = 	snop  }
0x1b6: {  	[spmem:s3] =	stream.indirect.scatter.add.f32 [tilespmem:s30], [sflag:$0x3], $0x80, s6, s29, $0xb8;
	[tilespmem:$0x1D000] =	vst v63  }
0x1b7: {  	_ =	swait.ge [sflag:s25], $0x4000  }
0x1b8: {  	[sflag:s25] =	ssyncset.done $0x0  }
0x1b9: {  	[sflag:s25] =	ssyncadd.s32 $0xFFFFC000  }
0x1ba: {  	_ =	swait.ge [sflag:s26], $0x4000  }
0x1bb: {  	[sflag:s26] =	ssyncset.done $0x0  }
0x1bc: {  	s11 =	rddreg [dreg:$0xb];
	[sflag:s26] =	ssyncadd.s32 $0xFFFFC000  }
0x1bd: {  	[tilespmem:s30], [sflag:$0x1] =	stream.indirect.gather [hbm4b:s1+s29], $0x80, s11, s29, $0xb8;
	[tilespmem:$0x1D000] =	vst v63  }
0x1be: {  	_ = 	snop  }
0x1bf: {  	[spmem:s3] =	stream.indirect.scatter.add.f32 [tilespmem:s24], [sflag:$0x3], $0x80, s12, s29, $0xb8;
	[tilespmem:$0x1D000] =	vst v63  }
0x1c0: {  	_ =	swait.ge [sflag:s25], $0x4000  }
0x1c1: {  	[sflag:s25] =	ssyncset.done $0x0  }
0x1c2: {  	[sflag:s25] =	ssyncadd.s32 $0xFFFFC000  }
0x1c3: {  	_ =	swait.ge [sflag:s26], $0x4000  }
0x1c4: {  	[sflag:s26] =	ssyncset.done $0x0  }
0x1c5: {  	s10 =	rddreg [dreg:$0xc];
	[sflag:s26] =	ssyncadd.s32 $0xFFFFC000  }
0x1c6: {  	[tilespmem:s24], [sflag:$0x1] =	stream.indirect.gather [hbm4b:s1+s29], $0x80, s10, s29, $0xb8;
	[tilespmem:$0x1D000] =	vst v63  }
0x1c7: {  	_ = 	snop  }
0x1c8: {  	[spmem:s3] =	stream.indirect.scatter.add.f32 [tilespmem:s30], [sflag:$0x3], $0x80, s13, s29, $0xb8;
	[tilespmem:$0x1D000] =	vst v63  }
0x1c9: {  	_ =	swait.ge [sflag:s25], $0x4000  }
0x1ca: {  	[sflag:s25] =	ssyncset.done $0x0  }
0x1cb: {  	[sflag:s25] =	ssyncadd.s32 $0xFFFFC000  }
0x1cc: {  	_ =	swait.ge [sflag:s26], $0x4000  }
0x1cd: {  	[sflag:s26] =	ssyncset.done $0x0  }
0x1ce: {  	s11 =	rddreg [dreg:$0xd];
	[sflag:s26] =	ssyncadd.s32 $0xFFFFC000  }
0x1cf: {  	[tilespmem:s30], [sflag:$0x1] =	stream.indirect.gather [hbm4b:s1+s29], $0x80, s11, s29, $0xb8;
	[tilespmem:$0x1D000] =	vst v63  }
0x1d0: {  	_ = 	snop  }
0x1d1: {  	[spmem:s3] =	stream.indirect.scatter.add.f32 [tilespmem:s24], [sflag:$0x3], $0x80, s14, s29, $0xb8;
	[tilespmem:$0x1D000] =	vst v63  }
0x1d2: {  	_ =	swait.ge [sflag:s25], $0x4000  }
0x1d3: {  	[sflag:s25] =	ssyncset.done $0x0  }
0x1d4: {  	[sflag:s25] =	ssyncadd.s32 $0xFFFFC000  }
0x1d5: {  	_ =	swait.ge [sflag:s26], $0x4000  }
0x1d6: {  	[sflag:s26] =	ssyncset.done $0x0  }
0x1d7: {  	s10 =	rddreg [dreg:$0xe];
	[sflag:s26] =	ssyncadd.s32 $0xFFFFC000  }
0x1d8: {  	[tilespmem:s24], [sflag:$0x1] =	stream.indirect.gather [hbm4b:s1+s29], $0x80, s10, s29, $0xb8;
	[tilespmem:$0x1D000] =	vst v63  }
0x1d9: {  	_ = 	snop  }
0x1da: {  	[spmem:s3] =	stream.indirect.scatter.add.f32 [tilespmem:s30], [sflag:$0x3], $0x80, s15, s29, $0xb8;
	[tilespmem:$0x1D000] =	vst v63  }
0x1db: {  	_ =	swait.ge [sflag:s25], $0x4000  }
0x1dc: {  	[sflag:s25] =	ssyncset.done $0x0  }
0x1dd: {  	[sflag:s25] =	ssyncadd.s32 $0xFFFFC000  }
0x1de: {  	_ =	swait.ge [sflag:s26], $0x4000  }
0x1df: {  	[sflag:s26] =	ssyncset.done $0x0  }
0x1e0: {  	s11 =	rddreg [dreg:$0xf];
	[sflag:s26] =	ssyncadd.s32 $0xFFFFC000  }
0x1e1: {  	[tilespmem:s30], [sflag:$0x1] =	stream.indirect.gather [hbm4b:s1+s29], $0x80, s11, s29, $0xb8;
	[tilespmem:$0x1D000] =	vst v63  }
0x1e2: {  	_ = 	snop  }
0x1e3: {  	[spmem:s3] =	stream.indirect.scatter.add.f32 [tilespmem:s24], [sflag:$0x3], $0x80, s16, s29, $0xb8;
	[tilespmem:$0x1D000] =	vst v63  }
0x1e4: {  	_ =	swait.ge [sflag:s25], $0x4000  }
0x1e5: {  	[sflag:s25] =	ssyncset.done $0x0  }
0x1e6: {  	[sflag:s25] =	ssyncadd.s32 $0xFFFFC000  }
0x1e7: {  	_ =	swait.ge [sflag:s26], $0x4000  }
0x1e8: {  	[sflag:s26] =	ssyncset.done $0x0  }
0x1e9: {  	s10 =	rddreg [dreg:$0x10];
	[sflag:s26] =	ssyncadd.s32 $0xFFFFC000  }
0x1ea: {  	[tilespmem:s24], [sflag:$0x1] =	stream.indirect.gather [hbm4b:s1+s29], $0x80, s10, s29, $0xb8;
	[tilespmem:$0x1D000] =	vst v63  }
0x1eb: {  	_ = 	snop  }
0x1ec: {  	[spmem:s3] =	stream.indirect.scatter.add.f32 [tilespmem:s30], [sflag:$0x3], $0x80, s17, s29, $0xb8;
	[tilespmem:$0x1D000] =	vst v63  }
0x1ed: {  	_ =	swait.ge [sflag:s25], $0x4000  }
0x1ee: {  	[sflag:s25] =	ssyncset.done $0x0  }
0x1ef: {  	[sflag:s25] =	ssyncadd.s32 $0xFFFFC000  }
0x1f0: {  	_ =	swait.ge [sflag:s26], $0x4000  }
0x1f1: {  	[sflag:s26] =	ssyncset.done $0x0  }
0x1f2: {  	s11 =	rddreg [dreg:$0x11];
	[sflag:s26] =	ssyncadd.s32 $0xFFFFC000  }
0x1f3: {  	[tilespmem:s30], [sflag:$0x1] =	stream.indirect.gather [hbm4b:s1+s29], $0x80, s11, s29, $0xb8;
	[tilespmem:$0x1D000] =	vst v63  }
0x1f4: {  	_ = 	snop  }
0x1f5: {  	[spmem:s3] =	stream.indirect.scatter.add.f32 [tilespmem:s24], [sflag:$0x3], $0x80, s18, s29, $0xb8;
	[tilespmem:$0x1D000] =	vst v63  }
0x1f6: {  	_ =	swait.ge [sflag:s25], $0x4000  }
0x1f7: {  	[sflag:s25] =	ssyncset.done $0x0  }
0x1f8: {  	[sflag:s25] =	ssyncadd.s32 $0xFFFFC000  }
0x1f9: {  	_ =	swait.ge [sflag:s26], $0x4000  }
0x1fa: {  	[sflag:s26] =	ssyncset.done $0x0  }
0x1fb: {  	[sflag:s26] =	ssyncadd.s32 $0xFFFFC000  }
0x1fc: {  	[tilespmem:s24], [sflag:$0x1] =	stream.indirect.gather [hbm4b:s1+s29], $0x80, s19, s29, $0xb8;
	[tilespmem:$0x1D000] =	vst v63  }
0x1fd: {  	_ = 	snop  }
0x1fe: {  	[spmem:s3] =	stream.indirect.scatter.add.f32 [tilespmem:s30], [sflag:$0x3], $0x80, s20, s29, $0xb8;
	[tilespmem:$0x1D000] =	vst v63  }
0x1ff: {  	_ =	swait.ge [sflag:s25], $0x4000  }
0x200: {  	[sflag:s25] =	ssyncset.done $0x0  }
0x201: {  	[sflag:s25] =	ssyncadd.s32 $0xFFFFC000  }
0x202: {  	_ =	swait.ge [sflag:s26], $0x4000  }
0x203: {  	[sflag:s26] =	ssyncset.done $0x0  }
0x204: {  	[sflag:s26] =	ssyncadd.s32 $0xFFFFC000  }
0x205: {  	[tilespmem:s30], [sflag:$0x1] =	stream.indirect.gather [hbm4b:s1+s29], $0x80, s21, s29, $0xb8;
	[tilespmem:$0x1D000] =	vst v63  }
0x206: {  	_ = 	snop  }
0x207: {  	[spmem:s3] =	stream.indirect.scatter.add.f32 [tilespmem:s24], [sflag:$0x3], $0x80, s22, s29, $0xb8;
	[tilespmem:$0x1D000] =	vst v63  }
0x208: {  	_ =	swait.ge [sflag:s25], $0x4000  }
0x209: {  	[sflag:s25] =	ssyncset.done $0x0  }
0x20a: {  	[sflag:s25] =	ssyncadd.s32 $0xFFFFC000  }
0x20b: {  	_ =	swait.ge [sflag:s26], $0x4000  }
0x20c: {  	[sflag:s26] =	ssyncset.done $0x0  }
0x20d: {  	[sflag:s26] =	ssyncadd.s32 $0xFFFFC000  }
0x20e: {  	[spmem:s3] =	stream.indirect.scatter.add.f32 [tilespmem:s30], [sflag:$0x3], $0x80, s7, s29, $0xb8;
	[tilespmem:$0x1D000] =	vst v63  }
0x20f: {  	_ =	swait.ge [sflag:s25], $0x4000  }
0x210: {  	[sflag:s25] =	ssyncset.done $0x0  }
0x211: {  	[sflag:s25] =	ssyncadd.s32 $0xFFFFC000  }
0x212: {  	[bflag:$0x0] =	sbarrier.arrive $0xFFFF  }
0x213: {  	s19 =	rddreg [dreg:$0x14]  }
0x214: {  	[tilespmem:s24], [sflag:$0x1] =	stream.linear.gather [spmem:s19], $0x4000, $0x38;
	[tilespmem:$0x1D000] =	vst v63  }
0x215: {  	s10 =	rddreg [dreg:$0x15]  }
0x216: {  	[tilespmem:s30], [sflag:$0x2] =	stream.linear.gather [spmem:s10], $0x4000, $0x38;
	[tilespmem:$0x1D000] =	vst v63  }
0x217: {  	_ =	swait.ge [sflag:s26], $0x4000  }
0x218: {  	[sflag:s26] =	ssyncset.done $0x0  }
0x219: {  	s9 =	simm.s32 $0x0;
	s11 =	rddreg [dreg:$0x19];
	[sflag:s26] =	ssyncadd.s32 $0xFFFFC000  }
0x21a: {  	[hbm4b:s11+s9] =	stream.linear.scatter [tilespmem:s24], [sflag:$0x1], $0x4000, $0x38;
	[tilespmem:$0x1D000] =	vst v63  }
0x21b: {  	_ =	swait.ge [sflag:s26], $0x4000  }
0x21c: {  	[sflag:s26] =	ssyncset.done $0x0  }
0x21d: {  	s19 =	rddreg [dreg:$0x16];
	[sflag:s26] =	ssyncadd.s32 $0xFFFFC000  }
0x21e: {  	[tilespmem:s24], [sflag:$0x1] =	stream.linear.gather [spmem:s19], $0x4000, $0x38;
	[tilespmem:$0x1D000] =	vst v63  }
0x21f: {  	_ =	swait.ge [sflag:s8], $0x4000  }
0x220: {  	[sflag:s8] =	ssyncset.done $0x0  }
0x221: {  	s11 =	rddreg [dreg:$0x1a];
	[sflag:s8] =	ssyncadd.s32 $0xFFFFC000  }
0x222: {  	[hbm4b:s11+s9] =	stream.linear.scatter [tilespmem:s30], [sflag:$0x2], $0x4000, $0x38;
	[tilespmem:$0x1D000] =	vst v63  }
0x223: {  	_ =	swait.ge [sflag:s8], $0x4000  }
0x224: {  	[sflag:s8] =	ssyncset.done $0x0  }
0x225: {  	s19 =	rddreg [dreg:$0x17];
	[sflag:s8] =	ssyncadd.s32 $0xFFFFC000  }
0x226: {  	[tilespmem:s30], [sflag:$0x2] =	stream.linear.gather [spmem:s19], $0x4000, $0x38;
	[tilespmem:$0x1D000] =	vst v63  }
0x227: {  	_ =	swait.ge [sflag:s26], $0x4000  }
0x228: {  	[sflag:s26] =	ssyncset.done $0x0  }
0x229: {  	s11 =	rddreg [dreg:$0x1b];
	[sflag:s26] =	ssyncadd.s32 $0xFFFFC000  }
0x22a: {  	[hbm4b:s11+s9] =	stream.linear.scatter [tilespmem:s24], [sflag:$0x1], $0x4000, $0x38;
	[tilespmem:$0x1D000] =	vst v63  }
0x22b: {  	_ =	swait.ge [sflag:s26], $0x4000  }
0x22c: {  	[sflag:s26] =	ssyncset.done $0x0  }
0x22d: {  	s19 =	rddreg [dreg:$0x18];
	[sflag:s26] =	ssyncadd.s32 $0xFFFFC000  }
0x22e: {  	[tilespmem:s24], [sflag:$0x1] =	stream.linear.gather [spmem:s19], $0x4000, $0x38;
	[tilespmem:$0x1D000] =	vst v63  }
0x22f: {  	_ =	swait.ge [sflag:s8], $0x4000  }
0x230: {  	[sflag:s8] =	ssyncset.done $0x0  }
0x231: {  	s11 =	rddreg [dreg:$0x1c];
	[sflag:s8] =	ssyncadd.s32 $0xFFFFC000  }
0x232: {  	[hbm4b:s11+s9] =	stream.linear.scatter [tilespmem:s30], [sflag:$0x2], $0x4000, $0x38;
	[tilespmem:$0x1D000] =	vst v63  }
0x233: {  	_ =	swait.ge [sflag:s8], $0x4000  }
0x234: {  	[sflag:s8] =	ssyncset.done $0x0  }
0x235: {  	[sflag:s8] =	ssyncadd.s32 $0xFFFFC000  }
0x236: {  	_ =	swait.ge [sflag:s26], $0x4000  }
0x237: {  	[sflag:s26] =	ssyncset.done $0x0  }
0x238: {  	s19 =	rddreg [dreg:$0x1d];
	[sflag:s26] =	ssyncadd.s32 $0xFFFFC000  }
0x239: {  	[hbm4b:s19+s9] =	stream.linear.scatter [tilespmem:s24], [sflag:$0x1], $0x4000, $0x38;
	[tilespmem:$0x1D000] =	vst v63  }
0x23a: {  	_ =	swait.ge [sflag:s26], $0x4000  }
0x23b: {  	[sflag:s26] =	ssyncset.done $0x0  }
0x23c: {  	s11 =	rddreg [dreg:$0x13];
	[sflag:s26] =	ssyncadd.s32 $0xFFFFC000  }
0x23d: {  	[tilespmem:s30], [sflag:$0x3] =	stream.linear.gather [hbm4b:s11+s9], $0x4000, $0x38;
	[tilespmem:$0x1D000] =	vst v63  }
0x23e: {  	_ =	swait.ge [sflag:s25], $0x4000  }
0x23f: {  	[sflag:s25] =	ssyncset.done $0x0  }
0x240: {  	[sflag:s25] =	ssyncadd.s32 $0xFFFFC000  }
0x241: {  	s19 =	sadd.s32 $0x0, s23;
	[bflag:$0x0] =	sbarrier.arrive $0xFFFF  }
0x242: {  	[tilespmem:s28], [sflag:$0x3] =	stream.linear.gather [hbm4b:s19+s4], $0x800, $0x38;
	[tilespmem:$0x1D000] =	vst v63  }
0x243: {  	_ =	swait.ge [sflag:s25], $0x800  }
0x244: {  	[sflag:s25] =	ssyncset.done $0x0  }
0x245: {  	[sflag:s25] =	ssyncadd.s32 $0xFFFFF800  }
0x246: {  	[spmem:s3] =	stream.indirect.scatter.add.f32 [tilespmem:s30], [sflag:$0x2], $0x80, s28, s29, $0xb8;
	[tilespmem:$0x1D000] =	vst v63  }
0x247: {  	_ = 	snop  }
0x248: {  	[spmem:s3] =	stream.indirect.scatter.add.f32 [tilespmem:s30], [sflag:$0x2], $0x80, s31, s29, $0xb8;
	[tilespmem:$0x1D000] =	vst v63  }
0x249: {  	_ = 	snop  }
0x24a: {  	[spmem:s3] =	stream.indirect.scatter.add.f32 [tilespmem:s30], [sflag:$0x2], $0x80, s2, s29, $0xb8;
	[tilespmem:$0x1D000] =	vst v63  }
0x24b: {  	_ = 	snop  }
0x24c: {  	[spmem:s3] =	stream.indirect.scatter.add.f32 [tilespmem:s30], [sflag:$0x2], $0x80, s0, s29, $0xb8;
	[tilespmem:$0x1D000] =	vst v63  }
0x24d: {  	_ = 	snop  }
0x24e: {  	[spmem:s3] =	stream.indirect.scatter.add.f32 [tilespmem:s30], [sflag:$0x2], $0x80, s5, s29, $0xb8;
	[tilespmem:$0x1D000] =	vst v63  }
0x24f: {  	_ = 	snop  }
0x250: {  	[spmem:s3] =	stream.indirect.scatter.add.f32 [tilespmem:s30], [sflag:$0x2], $0x80, s6, s29, $0xb8;
	[tilespmem:$0x1D000] =	vst v63  }
0x251: {  	_ = 	snop  }
0x252: {  	[spmem:s3] =	stream.indirect.scatter.add.f32 [tilespmem:s30], [sflag:$0x2], $0x80, s12, s29, $0xb8;
	[tilespmem:$0x1D000] =	vst v63  }
0x253: {  	_ = 	snop  }
0x254: {  	[spmem:s3] =	stream.indirect.scatter.add.f32 [tilespmem:s30], [sflag:$0x2], $0x80, s13, s29, $0xb8;
	[tilespmem:$0x1D000] =	vst v63  }
0x255: {  	_ = 	snop  }
0x256: {  	[spmem:s3] =	stream.indirect.scatter.add.f32 [tilespmem:s30], [sflag:$0x2], $0x80, s14, s29, $0xb8;
	[tilespmem:$0x1D000] =	vst v63  }
0x257: {  	_ = 	snop  }
0x258: {  	[spmem:s3] =	stream.indirect.scatter.add.f32 [tilespmem:s30], [sflag:$0x2], $0x80, s15, s29, $0xb8;
	[tilespmem:$0x1D000] =	vst v63  }
0x259: {  	_ = 	snop  }
0x25a: {  	[spmem:s3] =	stream.indirect.scatter.add.f32 [tilespmem:s30], [sflag:$0x2], $0x80, s16, s29, $0xb8;
	[tilespmem:$0x1D000] =	vst v63  }
0x25b: {  	_ = 	snop  }
0x25c: {  	[spmem:s3] =	stream.indirect.scatter.add.f32 [tilespmem:s30], [sflag:$0x2], $0x80, s17, s29, $0xb8;
	[tilespmem:$0x1D000] =	vst v63  }
0x25d: {  	_ = 	snop  }
0x25e: {  	[spmem:s3] =	stream.indirect.scatter.add.f32 [tilespmem:s30], [sflag:$0x2], $0x80, s18, s29, $0xb8;
	[tilespmem:$0x1D000] =	vst v63  }
0x25f: {  	_ = 	snop  }
0x260: {  	[spmem:s3] =	stream.indirect.scatter.add.f32 [tilespmem:s30], [sflag:$0x2], $0x80, s20, s29, $0xb8;
	[tilespmem:$0x1D000] =	vst v63  }
0x261: {  	_ = 	snop  }
0x262: {  	[spmem:s3] =	stream.indirect.scatter.add.f32 [tilespmem:s30], [sflag:$0x2], $0x80, s22, s29, $0xb8;
	[tilespmem:$0x1D000] =	vst v63  }
0x263: {  	_ = 	snop  }
0x264: {  	[spmem:s3] =	stream.indirect.scatter.add.f32 [tilespmem:s30], [sflag:$0x2], $0x80, s7, s29, $0xb8;
	[tilespmem:$0x1D000] =	vst v63  }
0x265: {  	_ =	swait.ge [sflag:s8], $0x4000  }
0x266: {  	[sflag:s8] =	ssyncset.done $0x0  }
0x267: {  	[sflag:s8] =	ssyncadd.s32 $0xFFFFC000  }
0x268: {  	_ =	swait.ge [sflag:s8], $0x4000  }
0x269: {  	[sflag:s8] =	ssyncset.done $0x0  }
0x26a: {  	[sflag:s8] =	ssyncadd.s32 $0xFFFFC000  }
0x26b: {  	_ =	swait.ge [sflag:s8], $0x4000  }
0x26c: {  	[sflag:s8] =	ssyncset.done $0x0  }
0x26d: {  	[sflag:s8] =	ssyncadd.s32 $0xFFFFC000  }
0x26e: {  	_ =	swait.ge [sflag:s8], $0x4000  }
0x26f: {  	[sflag:s8] =	ssyncset.done $0x0  }
0x270: {  	[sflag:s8] =	ssyncadd.s32 $0xFFFFC000  }
0x271: {  	_ =	swait.ge [sflag:s8], $0x4000  }
0x272: {  	[sflag:s8] =	ssyncset.done $0x0  }
0x273: {  	[sflag:s8] =	ssyncadd.s32 $0xFFFFC000  }
0x274: {  	_ =	swait.ge [sflag:s8], $0x4000  }
0x275: {  	[sflag:s8] =	ssyncset.done $0x0  }
0x276: {  	[sflag:s8] =	ssyncadd.s32 $0xFFFFC000  }
0x277: {  	_ =	swait.ge [sflag:s8], $0x4000  }
0x278: {  	[sflag:s8] =	ssyncset.done $0x0  }
0x279: {  	[sflag:s8] =	ssyncadd.s32 $0xFFFFC000  }
0x27a: {  	_ =	swait.ge [sflag:s8], $0x4000  }
0x27b: {  	[sflag:s8] =	ssyncset.done $0x0  }
0x27c: {  	[sflag:s8] =	ssyncadd.s32 $0xFFFFC000  }
0x27d: {  	_ =	swait.ge [sflag:s8], $0x4000  }
0x27e: {  	[sflag:s8] =	ssyncset.done $0x0  }
0x27f: {  	[sflag:s8] =	ssyncadd.s32 $0xFFFFC000  }
0x280: {  	_ =	swait.ge [sflag:s8], $0x4000  }
0x281: {  	[sflag:s8] =	ssyncset.done $0x0  }
0x282: {  	[sflag:s8] =	ssyncadd.s32 $0xFFFFC000  }
0x283: {  	_ =	swait.ge [sflag:s8], $0x4000  }
0x284: {  	[sflag:s8] =	ssyncset.done $0x0  }
0x285: {  	[sflag:s8] =	ssyncadd.s32 $0xFFFFC000  }
0x286: {  	_ =	swait.ge [sflag:s8], $0x4000  }
0x287: {  	[sflag:s8] =	ssyncset.done $0x0  }
0x288: {  	[sflag:s8] =	ssyncadd.s32 $0xFFFFC000  }
0x289: {  	_ =	swait.ge [sflag:s8], $0x4000  }
0x28a: {  	[sflag:s8] =	ssyncset.done $0x0  }
0x28b: {  	[sflag:s8] =	ssyncadd.s32 $0xFFFFC000  }
0x28c: {  	_ =	swait.ge [sflag:s8], $0x4000  }
0x28d: {  	[sflag:s8] =	ssyncset.done $0x0  }
0x28e: {  	[sflag:s8] =	ssyncadd.s32 $0xFFFFC000  }
0x28f: {  	_ =	swait.ge [sflag:s8], $0x4000  }
0x290: {  	[sflag:s8] =	ssyncset.done $0x0  }
0x291: {  	[sflag:s8] =	ssyncadd.s32 $0xFFFFC000  }
0x292: {  	_ =	swait.ge [sflag:s8], $0x4000  }
0x293: {  	s10 =	simm.s32 $0x100;
	s9 =	simm.s32 $0x200;
	[sflag:s8] =	ssyncset.done $0x0  }
.LBB2_4:
0x294: {  	s19 =	sadd.s32 s10, s23  }
0x295: {  	[sflag:s8] =	ssyncadd.s32 $0xFFFFC000;
	s10 =	smov.u32 s9;
	s11 =	sadd.s32 $0x100, s9  }
0x296: {  	[tilespmem:s28], [sflag:$0x3] =	stream.linear.gather [hbm4b:s19+s4], $0x800, $0x38;
	[tilespmem:$0x1D000] =	vst v63  }
0x297: {  	p0 =	sne.s32 s9, $0x400;
	_ =	swait.ge [sflag:s25], $0x800  }
0x298: {  	[sflag:s25] =	ssyncset.done $0x0  }
0x299: {  	[sflag:s25] =	ssyncadd.s32 $0xFFFFF800  }
0x29a: {  	[spmem:s3] =	stream.indirect.scatter.add.f32 [tilespmem:s30], [sflag:$0x2], $0x80, s28, s29, $0xb8;
	[tilespmem:$0x1D000] =	vst v63  }
0x29b: {  	_ = 	snop  }
0x29c: {  	[spmem:s3] =	stream.indirect.scatter.add.f32 [tilespmem:s30], [sflag:$0x2], $0x80, s31, s29, $0xb8;
	[tilespmem:$0x1D000] =	vst v63  }
0x29d: {  	_ = 	snop  }
0x29e: {  	[spmem:s3] =	stream.indirect.scatter.add.f32 [tilespmem:s30], [sflag:$0x2], $0x80, s2, s29, $0xb8;
	[tilespmem:$0x1D000] =	vst v63  }
0x29f: {  	_ = 	snop  }
0x2a0: {  	[spmem:s3] =	stream.indirect.scatter.add.f32 [tilespmem:s30], [sflag:$0x2], $0x80, s0, s29, $0xb8;
	[tilespmem:$0x1D000] =	vst v63  }
0x2a1: {  	_ = 	snop  }
0x2a2: {  	[spmem:s3] =	stream.indirect.scatter.add.f32 [tilespmem:s30], [sflag:$0x2], $0x80, s5, s29, $0xb8;
	[tilespmem:$0x1D000] =	vst v63  }
0x2a3: {  	_ = 	snop  }
0x2a4: {  	[spmem:s3] =	stream.indirect.scatter.add.f32 [tilespmem:s30], [sflag:$0x2], $0x80, s6, s29, $0xb8;
	[tilespmem:$0x1D000] =	vst v63  }
0x2a5: {  	_ = 	snop  }
0x2a6: {  	[spmem:s3] =	stream.indirect.scatter.add.f32 [tilespmem:s30], [sflag:$0x2], $0x80, s12, s29, $0xb8;
	[tilespmem:$0x1D000] =	vst v63  }
0x2a7: {  	_ = 	snop  }
0x2a8: {  	[spmem:s3] =	stream.indirect.scatter.add.f32 [tilespmem:s30], [sflag:$0x2], $0x80, s13, s29, $0xb8;
	[tilespmem:$0x1D000] =	vst v63  }
0x2a9: {  	_ = 	snop  }
0x2aa: {  	[spmem:s3] =	stream.indirect.scatter.add.f32 [tilespmem:s30], [sflag:$0x2], $0x80, s14, s29, $0xb8;
	[tilespmem:$0x1D000] =	vst v63  }
0x2ab: {  	_ = 	snop  }
0x2ac: {  	[spmem:s3] =	stream.indirect.scatter.add.f32 [tilespmem:s30], [sflag:$0x2], $0x80, s15, s29, $0xb8;
	[tilespmem:$0x1D000] =	vst v63  }
0x2ad: {  	_ = 	snop  }
0x2ae: {  	[spmem:s3] =	stream.indirect.scatter.add.f32 [tilespmem:s30], [sflag:$0x2], $0x80, s16, s29, $0xb8;
	[tilespmem:$0x1D000] =	vst v63  }
0x2af: {  	_ = 	snop  }
0x2b0: {  	[spmem:s3] =	stream.indirect.scatter.add.f32 [tilespmem:s30], [sflag:$0x2], $0x80, s17, s29, $0xb8;
	[tilespmem:$0x1D000] =	vst v63  }
0x2b1: {  	_ = 	snop  }
0x2b2: {  	[spmem:s3] =	stream.indirect.scatter.add.f32 [tilespmem:s30], [sflag:$0x2], $0x80, s18, s29, $0xb8;
	[tilespmem:$0x1D000] =	vst v63  }
0x2b3: {  	_ = 	snop  }
0x2b4: {  	[spmem:s3] =	stream.indirect.scatter.add.f32 [tilespmem:s30], [sflag:$0x2], $0x80, s20, s29, $0xb8;
	[tilespmem:$0x1D000] =	vst v63  }
0x2b5: {  	_ = 	snop  }
0x2b6: {  	[spmem:s3] =	stream.indirect.scatter.add.f32 [tilespmem:s30], [sflag:$0x2], $0x80, s22, s29, $0xb8;
	[tilespmem:$0x1D000] =	vst v63  }
0x2b7: {  	_ = 	snop  }
0x2b8: {  	[spmem:s3] =	stream.indirect.scatter.add.f32 [tilespmem:s30], [sflag:$0x2], $0x80, s7, s29, $0xb8;
	[tilespmem:$0x1D000] =	vst v63  }
0x2b9: {  	_ =	swait.ge [sflag:s8], $0x4000  }
0x2ba: {  	[sflag:s8] =	ssyncset.done $0x0  }
0x2bb: {  	[sflag:s8] =	ssyncadd.s32 $0xFFFFC000  }
0x2bc: {  	_ =	swait.ge [sflag:s8], $0x4000  }
0x2bd: {  	[sflag:s8] =	ssyncset.done $0x0  }
0x2be: {  	[sflag:s8] =	ssyncadd.s32 $0xFFFFC000  }
0x2bf: {  	_ =	swait.ge [sflag:s8], $0x4000  }
0x2c0: {  	[sflag:s8] =	ssyncset.done $0x0  }
0x2c1: {  	[sflag:s8] =	ssyncadd.s32 $0xFFFFC000  }
0x2c2: {  	_ =	swait.ge [sflag:s8], $0x4000  }
0x2c3: {  	[sflag:s8] =	ssyncset.done $0x0  }
0x2c4: {  	[sflag:s8] =	ssyncadd.s32 $0xFFFFC000  }
0x2c5: {  	_ =	swait.ge [sflag:s8], $0x4000  }
0x2c6: {  	[sflag:s8] =	ssyncset.done $0x0  }
0x2c7: {  	[sflag:s8] =	ssyncadd.s32 $0xFFFFC000  }
0x2c8: {  	_ =	swait.ge [sflag:s8], $0x4000  }
0x2c9: {  	[sflag:s8] =	ssyncset.done $0x0  }
0x2ca: {  	[sflag:s8] =	ssyncadd.s32 $0xFFFFC000  }
0x2cb: {  	_ =	swait.ge [sflag:s8], $0x4000  }
0x2cc: {  	[sflag:s8] =	ssyncset.done $0x0  }
0x2cd: {  	[sflag:s8] =	ssyncadd.s32 $0xFFFFC000  }
0x2ce: {  	_ =	swait.ge [sflag:s8], $0x4000  }
0x2cf: {  	[sflag:s8] =	ssyncset.done $0x0  }
0x2d0: {  	[sflag:s8] =	ssyncadd.s32 $0xFFFFC000  }
0x2d1: {  	_ =	swait.ge [sflag:s8], $0x4000  }
0x2d2: {  	[sflag:s8] =	ssyncset.done $0x0  }
0x2d3: {  	[sflag:s8] =	ssyncadd.s32 $0xFFFFC000  }
0x2d4: {  	_ =	swait.ge [sflag:s8], $0x4000  }
0x2d5: {  	[sflag:s8] =	ssyncset.done $0x0  }
0x2d6: {  	[sflag:s8] =	ssyncadd.s32 $0xFFFFC000  }
0x2d7: {  	_ =	swait.ge [sflag:s8], $0x4000  }
0x2d8: {  	[sflag:s8] =	ssyncset.done $0x0  }
0x2d9: {  	[sflag:s8] =	ssyncadd.s32 $0xFFFFC000  }
0x2da: {  	_ =	swait.ge [sflag:s8], $0x4000  }
0x2db: {  	[sflag:s8] =	ssyncset.done $0x0  }
0x2dc: {  	[sflag:s8] =	ssyncadd.s32 $0xFFFFC000  }
0x2dd: {  	_ =	swait.ge [sflag:s8], $0x4000  }
0x2de: {  	[sflag:s8] =	ssyncset.done $0x0  }
0x2df: {  	[sflag:s8] =	ssyncadd.s32 $0xFFFFC000  }
0x2e0: {  	_ =	swait.ge [sflag:s8], $0x4000  }
0x2e1: {  	[sflag:s8] =	ssyncset.done $0x0  }
0x2e2: {  	[sflag:s8] =	ssyncadd.s32 $0xFFFFC000  }
.Ltmp1:
0x2e3: {  	_ =	swait.ge [sflag:s8], $0x4000;
	(pc) =	sbr.rel @p0 .LBB2_4-.Ltmp1, $4  }
0x2e4: {  	[sflag:s8] =	ssyncset.done $0x0  }
0x2e5: {  	[sflag:s8] =	ssyncadd.s32 $0xFFFFC000  }
0x2e6: {  	_ =	swait.ge [sflag:s8], $0x4000  }
0x2e7: {  	s9 =	smov.u32 s11;
	[sflag:s8] =	ssyncset.done $0x0  }
0x2e8: {  	s9 =	sadd.s32 s10, s23;
	[sflag:s8] =	ssyncadd.s32 $0xFFFFC000  }
0x2e9: {  	[tilespmem:s28], [sflag:$0x3] =	stream.linear.gather [hbm4b:s9+s4], $0x800, $0x38;
	[tilespmem:$0x1D000] =	vst v63  }
0x2ea: {  	_ =	swait.ge [sflag:s25], $0x800  }
0x2eb: {  	[sflag:s25] =	ssyncset.done $0x0  }
0x2ec: {  	[sflag:s25] =	ssyncadd.s32 $0xFFFFF800  }
0x2ed: {  	[spmem:s3] =	stream.indirect.scatter.add.f32 [tilespmem:s30], [sflag:$0x2], $0x80, s28, s29, $0xb8;
	[tilespmem:$0x1D000] =	vst v63  }
0x2ee: {  	_ = 	snop  }
0x2ef: {  	[spmem:s3] =	stream.indirect.scatter.add.f32 [tilespmem:s30], [sflag:$0x2], $0x80, s31, s29, $0xb8;
	[tilespmem:$0x1D000] =	vst v63  }
0x2f0: {  	_ = 	snop  }
0x2f1: {  	[spmem:s3] =	stream.indirect.scatter.add.f32 [tilespmem:s30], [sflag:$0x2], $0x80, s2, s29, $0xb8;
	[tilespmem:$0x1D000] =	vst v63  }
0x2f2: {  	_ = 	snop  }
0x2f3: {  	[spmem:s3] =	stream.indirect.scatter.add.f32 [tilespmem:s30], [sflag:$0x2], $0x80, s0, s29, $0xb8;
	[tilespmem:$0x1D000] =	vst v63  }
0x2f4: {  	_ = 	snop  }
0x2f5: {  	[spmem:s3] =	stream.indirect.scatter.add.f32 [tilespmem:s30], [sflag:$0x2], $0x80, s5, s29, $0xb8;
	[tilespmem:$0x1D000] =	vst v63  }
0x2f6: {  	_ = 	snop  }
0x2f7: {  	[spmem:s3] =	stream.indirect.scatter.add.f32 [tilespmem:s30], [sflag:$0x2], $0x80, s6, s29, $0xb8;
	[tilespmem:$0x1D000] =	vst v63  }
0x2f8: {  	_ = 	snop  }
0x2f9: {  	[spmem:s3] =	stream.indirect.scatter.add.f32 [tilespmem:s30], [sflag:$0x2], $0x80, s12, s29, $0xb8;
	[tilespmem:$0x1D000] =	vst v63  }
0x2fa: {  	_ = 	snop  }
0x2fb: {  	[spmem:s3] =	stream.indirect.scatter.add.f32 [tilespmem:s30], [sflag:$0x2], $0x80, s13, s29, $0xb8;
	[tilespmem:$0x1D000] =	vst v63  }
0x2fc: {  	_ = 	snop  }
0x2fd: {  	[spmem:s3] =	stream.indirect.scatter.add.f32 [tilespmem:s30], [sflag:$0x2], $0x80, s14, s29, $0xb8;
	[tilespmem:$0x1D000] =	vst v63  }
0x2fe: {  	_ = 	snop  }
0x2ff: {  	[spmem:s3] =	stream.indirect.scatter.add.f32 [tilespmem:s30], [sflag:$0x2], $0x80, s15, s29, $0xb8;
	[tilespmem:$0x1D000] =	vst v63  }
0x300: {  	_ = 	snop  }
0x301: {  	[spmem:s3] =	stream.indirect.scatter.add.f32 [tilespmem:s30], [sflag:$0x2], $0x80, s16, s29, $0xb8;
	[tilespmem:$0x1D000] =	vst v63  }
0x302: {  	_ = 	snop  }
0x303: {  	[spmem:s3] =	stream.indirect.scatter.add.f32 [tilespmem:s30], [sflag:$0x2], $0x80, s17, s29, $0xb8;
	[tilespmem:$0x1D000] =	vst v63  }
0x304: {  	_ = 	snop  }
0x305: {  	[spmem:s3] =	stream.indirect.scatter.add.f32 [tilespmem:s30], [sflag:$0x2], $0x80, s18, s29, $0xb8;
	[tilespmem:$0x1D000] =	vst v63  }
0x306: {  	_ = 	snop  }
0x307: {  	[spmem:s3] =	stream.indirect.scatter.add.f32 [tilespmem:s30], [sflag:$0x2], $0x80, s20, s29, $0xb8;
	[tilespmem:$0x1D000] =	vst v63  }
0x308: {  	_ = 	snop  }
0x309: {  	[spmem:s3] =	stream.indirect.scatter.add.f32 [tilespmem:s30], [sflag:$0x2], $0x80, s22, s29, $0xb8;
	[tilespmem:$0x1D000] =	vst v63  }
0x30a: {  	_ = 	snop  }
0x30b: {  	[spmem:s3] =	stream.indirect.scatter.add.f32 [tilespmem:s30], [sflag:$0x2], $0x80, s7, s29, $0xb8;
	[tilespmem:$0x1D000] =	vst v63  }
0x30c: {  	_ =	swait.ge [sflag:s8], $0x4000  }
0x30d: {  	[sflag:s8] =	ssyncset.done $0x0  }
0x30e: {  	[sflag:s8] =	ssyncadd.s32 $0xFFFFC000  }
0x30f: {  	_ =	swait.ge [sflag:s8], $0x4000  }
0x310: {  	[sflag:s8] =	ssyncset.done $0x0  }
0x311: {  	[sflag:s8] =	ssyncadd.s32 $0xFFFFC000  }
0x312: {  	_ =	swait.ge [sflag:s8], $0x4000  }
0x313: {  	[sflag:s8] =	ssyncset.done $0x0  }
0x314: {  	[sflag:s8] =	ssyncadd.s32 $0xFFFFC000  }
0x315: {  	_ =	swait.ge [sflag:s8], $0x4000  }
0x316: {  	[sflag:s8] =	ssyncset.done $0x0  }
0x317: {  	[sflag:s8] =	ssyncadd.s32 $0xFFFFC000  }
0x318: {  	_ =	swait.ge [sflag:s8], $0x4000  }
0x319: {  	[sflag:s8] =	ssyncset.done $0x0  }
0x31a: {  	[sflag:s8] =	ssyncadd.s32 $0xFFFFC000  }
0x31b: {  	_ =	swait.ge [sflag:s8], $0x4000  }
0x31c: {  	[sflag:s8] =	ssyncset.done $0x0  }
0x31d: {  	[sflag:s8] =	ssyncadd.s32 $0xFFFFC000  }
0x31e: {  	_ =	swait.ge [sflag:s8], $0x4000  }
0x31f: {  	[sflag:s8] =	ssyncset.done $0x0  }
0x320: {  	[sflag:s8] =	ssyncadd.s32 $0xFFFFC000  }
0x321: {  	_ =	swait.ge [sflag:s8], $0x4000  }
0x322: {  	[sflag:s8] =	ssyncset.done $0x0  }
0x323: {  	[sflag:s8] =	ssyncadd.s32 $0xFFFFC000  }
0x324: {  	_ =	swait.ge [sflag:s8], $0x4000  }
0x325: {  	[sflag:s8] =	ssyncset.done $0x0  }
0x326: {  	[sflag:s8] =	ssyncadd.s32 $0xFFFFC000  }
0x327: {  	_ =	swait.ge [sflag:s8], $0x4000  }
0x328: {  	[sflag:s8] =	ssyncset.done $0x0  }
0x329: {  	[sflag:s8] =	ssyncadd.s32 $0xFFFFC000  }
0x32a: {  	_ =	swait.ge [sflag:s8], $0x4000  }
0x32b: {  	[sflag:s8] =	ssyncset.done $0x0  }
0x32c: {  	[sflag:s8] =	ssyncadd.s32 $0xFFFFC000  }
0x32d: {  	_ =	swait.ge [sflag:s8], $0x4000  }
0x32e: {  	[sflag:s8] =	ssyncset.done $0x0  }
0x32f: {  	[sflag:s8] =	ssyncadd.s32 $0xFFFFC000  }
0x330: {  	_ =	swait.ge [sflag:s8], $0x4000  }
0x331: {  	[sflag:s8] =	ssyncset.done $0x0  }
0x332: {  	[sflag:s8] =	ssyncadd.s32 $0xFFFFC000  }
0x333: {  	_ =	swait.ge [sflag:s8], $0x4000  }
0x334: {  	[sflag:s8] =	ssyncset.done $0x0  }
0x335: {  	[sflag:s8] =	ssyncadd.s32 $0xFFFFC000  }
0x336: {  	_ =	swait.ge [sflag:s8], $0x4000  }
0x337: {  	[sflag:s8] =	ssyncset.done $0x0  }
0x338: {  	[sflag:s8] =	ssyncadd.s32 $0xFFFFC000  }
0x339: {  	_ =	swait.ge [sflag:s8], $0x4000  }
0x33a: {  	[sflag:s8] =	ssyncset.done $0x0  }
0x33b: {  	[sflag:s8] =	ssyncadd.s32 $0xFFFFC000  }
0x33c: {  	[bflag:$0x0] =	sbarrier.arrive $0xFFFF  }
0x33d: {  	s10 =	rddreg [dreg:$0x14]  }
0x33e: {  	[tilespmem:s24], [sflag:$0x1] =	stream.linear.gather [spmem:s10], $0x4000, $0x38;
	[tilespmem:$0x1D000] =	vst v63  }
0x33f: {  	s10 =	rddreg [dreg:$0x15]  }
0x340: {  	[tilespmem:s30], [sflag:$0x2] =	stream.linear.gather [spmem:s10], $0x4000, $0x38;
	[tilespmem:$0x1D000] =	vst v63  }
0x341: {  	_ =	swait.ge [sflag:s26], $0x4000  }
0x342: {  	[sflag:s26] =	ssyncset.done $0x0  }
0x343: {  	s11 =	rddreg [dreg:$0x1e];
	[sflag:s26] =	ssyncadd.s32 $0xFFFFC000  }
0x344: {  	[hbm4b:s11+s4] =	stream.linear.scatter [tilespmem:s24], [sflag:$0x1], $0x4000, $0x38;
	[tilespmem:$0x1D000] =	vst v63  }
0x345: {  	_ =	swait.ge [sflag:s26], $0x4000  }
0x346: {  	[sflag:s26] =	ssyncset.done $0x0  }
0x347: {  	s11 =	rddreg [dreg:$0x16];
	[sflag:s26] =	ssyncadd.s32 $0xFFFFC000  }
0x348: {  	[tilespmem:s24], [sflag:$0x1] =	stream.linear.gather [spmem:s11], $0x4000, $0x38;
	[tilespmem:$0x1D000] =	vst v63  }
0x349: {  	_ =	swait.ge [sflag:s8], $0x4000  }
0x34a: {  	[sflag:s8] =	ssyncset.done $0x0  }
0x34b: {  	s19 =	rddreg [dreg:$0x1f];
	[sflag:s8] =	ssyncadd.s32 $0xFFFFC000  }
0x34c: {  	[hbm4b:s19+s4] =	stream.linear.scatter [tilespmem:s30], [sflag:$0x2], $0x4000, $0x38;
	[tilespmem:$0x1D000] =	vst v63  }
0x34d: {  	_ =	swait.ge [sflag:s8], $0x4000  }
0x34e: {  	[sflag:s8] =	ssyncset.done $0x0  }
0x34f: {  	s19 =	rddreg [dreg:$0x17];
	[sflag:s8] =	ssyncadd.s32 $0xFFFFC000  }
0x350: {  	[tilespmem:s30], [sflag:$0x2] =	stream.linear.gather [spmem:s19], $0x4000, $0x38;
	[tilespmem:$0x1D000] =	vst v63  }
0x351: {  	_ =	swait.ge [sflag:s26], $0x4000  }
0x352: {  	s19 =	sld [smem:$0x7F9]  }
0x353: {  	[sflag:s26] =	ssyncset.done $0x0  }
0x354: {  	[sflag:s26] =	ssyncadd.s32 $0xFFFFC000  }
0x355: {  	[hbm4b:s19+s4] =	stream.linear.scatter [tilespmem:s24], [sflag:$0x1], $0x4000, $0x38;
	[tilespmem:$0x1D000] =	vst v63  }
0x356: {  	_ =	swait.ge [sflag:s26], $0x4000  }
0x357: {  	[sflag:s26] =	ssyncset.done $0x0  }
0x358: {  	s19 =	rddreg [dreg:$0x18];
	[sflag:s26] =	ssyncadd.s32 $0xFFFFC000  }
0x359: {  	[tilespmem:s24], [sflag:$0x1] =	stream.linear.gather [spmem:s19], $0x4000, $0x38;
	[tilespmem:$0x1D000] =	vst v63  }
0x35a: {  	_ =	swait.ge [sflag:s8], $0x4000  }
0x35b: {  	s19 =	sld [smem:$0x7FA]  }
0x35c: {  	[sflag:s8] =	ssyncset.done $0x0  }
0x35d: {  	[sflag:s8] =	ssyncadd.s32 $0xFFFFC000  }
0x35e: {  	[hbm4b:s19+s4] =	stream.linear.scatter [tilespmem:s30], [sflag:$0x2], $0x4000, $0x38;
	[tilespmem:$0x1D000] =	vst v63  }
0x35f: {  	_ =	swait.ge [sflag:s8], $0x4000  }
0x360: {  	[sflag:s8] =	ssyncset.done $0x0  }
0x361: {  	[sflag:s8] =	ssyncadd.s32 $0xFFFFC000  }
0x362: {  	_ =	swait.ge [sflag:s26], $0x4000  }
0x363: {  	s19 =	sld [smem:$0x7FB]  }
0x364: {  	[sflag:s26] =	ssyncset.done $0x0  }
0x365: {  	[sflag:s26] =	ssyncadd.s32 $0xFFFFC000  }
0x366: {  	[hbm4b:s19+s4] =	stream.linear.scatter [tilespmem:s24], [sflag:$0x1], $0x4000, $0x38;
	[tilespmem:$0x1D000] =	vst v63  }
0x367: {  	_ =	swait.ge [sflag:s26], $0x4000  }
0x368: {  	s19 =	sld [smem:$0x7FD]  }
0x369: {  	s9 =	sld [smem:$0x7FC];
	_ =	sdelay $0x1  }
0x36a: {  	s19 =	sadd.s32 $0x1, s19  }
0x36b: {  	p0 =	sne.s32 s19, s9  }
.Ltmp2:
0x36c: {  	_ = 	snop;
	(pc) =	sbr.rel @p0 .LBB2_1-.Ltmp2, $3  }
0x36d: {  	_ =	sdelay $0x1  }
0x36e: {  	[sflag:s26] =	ssyncset.done $0x0;
	[smem:$0x7FD] =	sst s19  }
0x36f: {  	[sflag:s26] =	ssyncadd.s32 $0xFFFFC000;
	s19 =	rddreg [dreg:$0x14]  }
0x370: {  	_ =	sfence.sel $0x180000  }
0x371: {  	[bflag:$0x0] =	sbarrier.arrive $0xFFFF  }
0x372: {  	_ =	strace $0x90000047  }
0x373: {  	s0 =	stileid.u32;
	[bflag:$0x2] =	sbarrier.arrive $0xFFFF  }
0x374: {  	p0 =	sne.s32 s0, $0x0;
	s0 =	rddreg [dreg:$0x4]  }
0x375: {  	s0 =	sadd.s32 @!p0 $0x100000, s0  }
0x376: {  	[sflag:s0] =	ssyncadd.tile.s32 @!p0 $0x1;
	_ =	shalt  }
.Lfunc_end2:
_tile_overlayer_lowered:
.L_overlay_start_2:
0x377: {  	(tag) =	ssettag $0x2  }
0x378: {  	s0 =	rddreg [dreg:$0x0];
	s2 =	stileid.u32  }
0x379: {  	s1 =	rddreg [dreg:$0x1];
	p0 =	sne.s32 s2, $0x0  }
0x37a: {  	s3 =	rddreg [dreg:$0x2];
	[bflag:$0x3] =	sbarrier.arrive $0xFFFF;
	s2 =	simm.s32 @!p0 $0x1C03  }
0x37b: {  	[timem:s3], [sflag:s2] =	dma.local @!p0 [hbm:s0], s1  }
0x37c: {  	s0 =	simm.s32 @!p0 $0x3  }
0x37d: {  	_ =	swait.ge @!p0 [sflag:s0], s1  }
0x37e: {  	s1 =	ssub.s32 @!p0 $0x0, s1;
	[sflag:s0] =	ssyncset.done @!p0 $0x0  }
0x37f: {  	[sflag:s0] =	ssyncadd.s32 @!p0 s1  }
0x380: {  	[bflag:$0x3] =	sbarrier.arrive $0xFFFF  }
0x381: {  	_ =	shalt  }

</sc_bundles>
